<compile_context>
chip_gen: v7x
topology: tpu7x:2x2x1
jax: 0.10.2.dev20260603
libtpu: 0.0.44.dev20260713+nightly
codegen_flags: <defaults>
</compile_context>

<pallas_src>
import functools

import jax
import jax.numpy as jnp
from jax import lax
from jax.experimental import pallas as pl
from jax.experimental.pallas import tpu as pltpu
from jax.experimental.pallas import tpu_sc as plsc

_NS = 16
_NC = 2
_CH = 128


def _segment_sums_sc(x_user, x_item, ei_ui, ei_iu):
    N, D = x_user.shape
    E = ei_ui.shape[1]
    ep = -(-E // (_NS * 6 * _CH)) * 6 * _CH
    e_pad = ep * _NS
    n_pad = -(-(N + 1) // 8) * 8
    zrm = -(-n_pad // (_NS * 8)) * 8
    zrl = n_pad - (_NS - 1) * zrm
    assert 0 < zrl <= zrm and zrl % 8 == 0
    orow = (N // _NS) & ~7
    otail = N - _NS * orow
    assert otail % 8 == 0 and _NS * orow % 8 == 0
    nchunk = ep // _CH

    pad = e_pad - E

    assert E % _NS == 0 and pad % _NS == 0

    def _pad_ei(ei):
        ar = jnp.arange(pad, dtype=jnp.int32)
        filler = jnp.stack([(ar * 97) % N, N + ar % (n_pad - N)])

        def mix(row, fill):
            return jnp.concatenate(
                [row.reshape(_NS, E // _NS),
                 fill.reshape(_NS, pad // _NS)], axis=1).reshape(-1)

        ei = ei.astype(jnp.int32)
        return jnp.stack([mix(ei[0], filler[0]), mix(ei[1], filler[1])])

    ei_ui_p = _pad_ei(ei_ui)
    ei_iu_p = _pad_ei(ei_iu)
    zblk = jnp.zeros((zrm, D), jnp.float32)

    mesh = plsc.VectorSubcoreMesh(core_axis_name="c", subcore_axis_name="s")

    def body(xu, xi, e_ui, e_iu, zb, agg_u, agg_i,
             idx0, idx1, idx2, idx3, idx4, idx5, rows0, rows1, rows2,
             isem0, isem1, isem2, isem3, isem4, isem5,
             gsem0, gsem1, gsem2, ssem0, ssem1, ssem2, acc):
        c = lax.axis_index("c")
        s = lax.axis_index("s")
        @pl.when(s < _NS - 1)
        def _():
            pltpu.sync_copy(zb, acc.at[pl.ds(s * zrm, zrm)])

        @pl.when(s == _NS - 1)
        def _():
            pltpu.sync_copy(zb.at[pl.ds(0, zrl)],
                            acc.at[pl.ds((_NS - 1) * zrm, zrl)])

        plsc.subcore_barrier()
        idxs = (idx0, idx1, idx2, idx3, idx4, idx5)
        isems = (isem0, isem1, isem2, isem3, isem4, isem5)
        rows = (rows0, rows1, rows2)
        gsems = (gsem0, gsem1, gsem2)
        ssems = (ssem0, ssem1, ssem2)

        def run(ei, xsrc):
            base = s * ep

            def load_idx(k, j):
                pltpu.async_copy(ei.at[:, pl.ds(base + k * _CH, _CH)],
                                 idxs[j], isems[j])

            def wait_idx(k, j):
                pltpu.make_async_copy(ei.at[:, pl.ds(base + k * _CH, _CH)],
                                      idxs[j], isems[j]).wait()

            def wait_scatter(j, b):
                pltpu.make_async_copy(rows[b], acc.at[idxs[j].at[1]],
                                      ssems[b]).wait()

            load_idx(0, 0)
            load_idx(1, 1)
            wait_idx(0, 0)
            pltpu.async_copy(xsrc.at[idx0.at[0]], rows0, gsem0)

            def six(g, carry):
                for b6 in range(6):
                    k = g * 6 + b6
                    b = b6 % 3
                    nb = (b6 + 1) % 3

                    @pl.when(k >= 2)
                    def _():
                        wait_scatter((b6 + 4) % 6, nb)

                    @pl.when(k + 2 < nchunk)
                    def _():
                        load_idx(k + 2, (b6 + 2) % 6)

                    @pl.when(k + 1 < nchunk)
                    def _():
                        wait_idx(k + 1, (b6 + 1) % 6)
                        pltpu.async_copy(xsrc.at[idxs[(b6 + 1) % 6].at[0]],
                                         rows[nb], gsems[nb])

                    pltpu.make_async_copy(xsrc.at[idxs[b6].at[0]],
                                          rows[b], gsems[b]).wait()
                    pltpu.async_copy(rows[b], acc.at[idxs[b6].at[1]],
                                     ssems[b], add=True)
                return carry

            lax.fori_loop(0, nchunk // 6, six, 0)
            wait_scatter((nchunk - 2) % 6, (nchunk - 2) % 3)
            wait_scatter((nchunk - 1) % 6, (nchunk - 1) % 3)

        @pl.when(c == 0)
        def _():
            run(e_ui, xu)

        @pl.when(c == 1)
        def _():
            run(e_iu, xi)

        plsc.subcore_barrier()

        def copy_out(agg):
            pltpu.sync_copy(acc.at[pl.ds(s * orow, orow)],
                            agg.at[pl.ds(s * orow, orow)])
            if otail:
                @pl.when(s == 0)
                def _():
                    pltpu.sync_copy(acc.at[pl.ds(_NS * orow, otail)],
                                    agg.at[pl.ds(_NS * orow, otail)])

        @pl.when(c == 0)
        def _():
            copy_out(agg_i)

        @pl.when(c == 1)
        def _():
            copy_out(agg_u)

    f = pl.kernel(
        body,
        out_type=[jax.ShapeDtypeStruct((N, D), jnp.float32),
                  jax.ShapeDtypeStruct((N, D), jnp.float32)],
        mesh=mesh,
        scratch_types=(
            [pltpu.VMEM((2, _CH), jnp.int32)] * 6
            + [pltpu.VMEM((_CH, D), jnp.float32)] * 3
            + [pltpu.SemaphoreType.DMA] * 12
            + [pltpu.VMEM_SHARED((n_pad, D), jnp.float32)]
        ),
    )
    return f(x_user, x_item, ei_ui_p, ei_iu_p, zblk)


def _dense_tc(agg_user, agg_item, x_user, x_item,
              wlT_ui, wrT_ui, wlT_iu, wrT_iu, vecs):
    N, D = x_user.shape
    R = 1000
    assert N % R == 0
    grid = (N // R,)

    def body(au, ai, xu, xi, wlui, wrui, wliu, wriu, v, hu, hi):
        vv = v[...]

        def side(agg, x, wl, wr, bl, g, b):
            o = (jnp.dot(agg[...], wl[...], preferred_element_type=jnp.float32)
                 + jnp.dot(x[...], wr[...], preferred_element_type=jnp.float32)
                 + bl)
            mu = jnp.mean(o, axis=-1, keepdims=True)
            var = jnp.mean(jnp.square(o - mu), axis=-1, keepdims=True)
            y = (o - mu) * lax.rsqrt(var + 1e-5) * g + b
            return jnp.maximum(y, 0.0) + x[...]

        hi[...] = side(ai, xi, wlui, wrui, vv[0:1], vv[1:2], vv[2:3])
        hu[...] = side(au, xu, wliu, wriu, vv[3:4], vv[4:5], vv[5:6])

    node = pl.BlockSpec((R, D), lambda i: (i, 0))
    full = pl.BlockSpec((D, D), lambda i: (0, 0))
    vspec = pl.BlockSpec((8, D), lambda i: (0, 0))
    return pl.pallas_call(
        body,
        grid=grid,
        in_specs=[node, node, node, node, full, full, full, full, vspec],
        out_specs=[node, node],
        out_shape=[jax.ShapeDtypeStruct((N, D), jnp.float32),
                   jax.ShapeDtypeStruct((N, D), jnp.float32)],
    )(agg_user, agg_item, x_user, x_item, wlT_ui, wrT_ui, wlT_iu, wrT_iu, vecs)


def kernel(x_user, x_item, edge_index_ui, edge_index_iu,
           Wl_ui, bl_ui, Wr_ui, Wl_iu, bl_iu, Wr_iu,
           g_user, b_user, g_item, b_item):
    agg_user, agg_item = _segment_sums_sc(
        x_user, x_item, edge_index_ui, edge_index_iu)
    zrow = jnp.zeros_like(bl_ui)
    vecs = jnp.stack([bl_ui, g_item, b_item, bl_iu, g_user, b_user, zrow, zrow])
    h_user, h_item = _dense_tc(
        agg_user, agg_item, x_user, x_item,
        Wl_ui.T, Wr_ui.T, Wl_iu.T, Wr_iu.T, vecs)
    return (h_user, h_item)

# --- scband reference (transcript-rebuilt; emitter-appended) ---
"""Pipeline reference for scband-het-gnnlayer-80564996538624 (READ-ONLY COPY).

The authoritative reference and input builder live on the scoring server;
editing this copy changes nothing except your own understanding.
"""

import jax, jax.numpy as jnp
import numpy as np

N = 10000
E = 320000
D = 128

def setup_inputs(seed: int = 0) -> dict:
    key = jax.random.key(seed)
    ks = jax.random.split(key, 16)
    s = 1.0 / np.sqrt(D)
    inp = {}
    inp["x_user"] = jax.random.normal(ks[0], (N, D), dtype=jnp.float32)
    inp["x_item"] = jax.random.normal(ks[1], (N, D), dtype=jnp.float32)
    inp["edge_index_ui"] = jax.random.randint(ks[2], (2, E), 0, N, dtype=jnp.int32)
    inp["edge_index_iu"] = jax.random.randint(ks[3], (2, E), 0, N, dtype=jnp.int32)
    # SAGEConv params for relation (user, rates, item): lin_l (bias) on aggregated msgs, lin_r (no bias) on root
    inp["Wl_ui"] = jax.random.normal(ks[4], (D, D), dtype=jnp.float32) * s
    inp["bl_ui"] = jnp.zeros((D,), dtype=jnp.float32)
    inp["Wr_ui"] = jax.random.normal(ks[5], (D, D), dtype=jnp.float32) * s
    # SAGEConv params for relation (item, rev_rates, user)
    inp["Wl_iu"] = jax.random.normal(ks[6], (D, D), dtype=jnp.float32) * s
    inp["bl_iu"] = jnp.zeros((D,), dtype=jnp.float32)
    inp["Wr_iu"] = jax.random.normal(ks[7], (D, D), dtype=jnp.float32) * s
    # LayerNorm params per node type
    inp["g_user"] = jnp.ones((D,), dtype=jnp.float32)
    inp["b_user"] = jnp.zeros((D,), dtype=jnp.float32)
    inp["g_item"] = jnp.ones((D,), dtype=jnp.float32)
    inp["b_item"] = jnp.zeros((D,), dtype=jnp.float32)
    return inp

def _sage(x_src, x_dst, ei, Wl, bl, Wr):
    # SAGEConv with aggr='sum': out = lin_l(sum_{j in N(i)} x_j) + lin_r(x_i)
    msg = jnp.take(x_src, ei[0], axis=0)
    agg = jax.ops.segment_sum(msg, ei[1], num_segments=x_dst.shape[0])
    return agg @ Wl.T + bl + x_dst @ Wr.T

def _layernorm(x, g, b, eps=1e-5):
    mu = jnp.mean(x, axis=-1, keepdims=True)
    var = jnp.mean((x - mu) ** 2, axis=-1, keepdims=True)
    return (x - mu) / jnp.sqrt(var + eps) * g + b

def reference(x_user, x_item, edge_index_ui, edge_index_iu,
              Wl_ui, bl_ui, Wr_ui, Wl_iu, bl_iu, Wr_iu,
              g_user, b_user, g_item, b_item):
    # HeteroConv(aggr='sum'): each dst node type receives from exactly one relation here
    out_item = _sage(x_user, x_item, edge_index_ui, Wl_ui, bl_ui, Wr_ui)
    out_user = _sage(x_item, x_user, edge_index_iu, Wl_iu, bl_iu, Wr_iu)
    # norm -> relu -> residual (shapes match since in_dim == hidden_dim)
    h_user = jax.nn.relu(_layernorm(out_user, g_user, b_user)) + x_user
    h_item = jax.nn.relu(_layernorm(out_item, g_item, b_item)) + x_item
    return (h_user, h_item)

if False:  # reference __main__ guard neutralized (emitter)
    out = reference(**setup_inputs())
    print(out[0].shape, out[1].shape)

if __name__ == "__main__":
    import jax
    _d = setup_inputs()
    print(jax.jit(kernel)(*tuple(_d.values())))

</pallas_src>

<mosaic_0001>
#map = affine_map<(d0, d1) -> (0, 0)>
module attributes {stable_mosaic.version = 14 : i64} {
  func.func @body(%arg0: i32, %arg1: i32, %arg2: memref<10000x128xf32, #tpu.memory_space<hbm>>, %arg3: memref<10000x128xf32, #tpu.memory_space<hbm>>, %arg4: memref<2x331776xi32, #tpu.memory_space<hbm>>, %arg5: memref<2x331776xi32, #tpu.memory_space<hbm>>, %arg6: memref<632x128xf32, #tpu.memory_space<hbm>>, %arg7: memref<10000x128xf32, #tpu.memory_space<hbm>>, %arg8: memref<10000x128xf32, #tpu.memory_space<hbm>>, %arg9: memref<2x128xi32, #tpu.memory_space<vmem>>, %arg10: memref<2x128xi32, #tpu.memory_space<vmem>>, %arg11: memref<2x128xi32, #tpu.memory_space<vmem>>, %arg12: memref<2x128xi32, #tpu.memory_space<vmem>>, %arg13: memref<2x128xi32, #tpu.memory_space<vmem>>, %arg14: memref<2x128xi32, #tpu.memory_space<vmem>>, %arg15: memref<128x128xf32, #tpu.memory_space<vmem>>, %arg16: memref<128x128xf32, #tpu.memory_space<vmem>>, %arg17: memref<128x128xf32, #tpu.memory_space<vmem>>, %arg18: memref<!tpu.dma_semaphore, #tpu.memory_space<semaphore_mem>>, %arg19: memref<!tpu.dma_semaphore, #tpu.memory_space<semaphore_mem>>, %arg20: memref<!tpu.dma_semaphore, #tpu.memory_space<semaphore_mem>>, %arg21: memref<!tpu.dma_semaphore, #tpu.memory_space<semaphore_mem>>, %arg22: memref<!tpu.dma_semaphore, #tpu.memory_space<semaphore_mem>>, %arg23: memref<!tpu.dma_semaphore, #tpu.memory_space<semaphore_mem>>, %arg24: memref<!tpu.dma_semaphore, #tpu.memory_space<semaphore_mem>>, %arg25: memref<!tpu.dma_semaphore, #tpu.memory_space<semaphore_mem>>, %arg26: memref<!tpu.dma_semaphore, #tpu.memory_space<semaphore_mem>>, %arg27: memref<!tpu.dma_semaphore, #tpu.memory_space<semaphore_mem>>, %arg28: memref<!tpu.dma_semaphore, #tpu.memory_space<semaphore_mem>>, %arg29: memref<!tpu.dma_semaphore, #tpu.memory_space<semaphore_mem>>, %arg30: memref<10008x128xf32, #tpu.memory_space<vmem_shared>>) attributes {dimension_semantics = [#tpu.dimension_semantics<core_parallel>, #tpu.dimension_semantics<subcore_parallel>], iteration_bounds = array<i64: 2, 16>, scalar_prefetch = 0 : i64, scratch_operands = 22 : i64, tpu.core_type = #tpu.core_type<sc_vector_subcore>, window_params = [{transform_indices = #map}, {transform_indices = #map}, {transform_indices = #map}, {transform_indices = #map}, {transform_indices = #map}, {transform_indices = #map}, {transform_indices = #map}]} {
    %lt3A = arith.constant 15 : i32
    %lt3A_0 = arith.cmpi slt, %arg1, %lt3A : i32
    %convert_element_type3A = arith.extui %lt3A_0 : i1 to i32
    %cond3A = arith.constant 0 : i32
    %cond3A_1 = arith.cmpi ne, %convert_element_type3A, %cond3A : i32
    scf.if %cond3A_1 {
      %mul3A = arith.constant 632 : i32
      %mul3A_27 = arith.muli %arg1, %mul3A : i32
      "tpu.region"() ({
        %run_scoped3A = tpu.sem_alloc : memref<!tpu.dma_semaphore, #tpu.memory_space<semaphore_mem>>
        %dma_start3A = arith.constant 0 : i32
        %dma_start3A_28 = tpu.memref_slice %arg30[%mul3A_27, %dma_start3A] : memref<10008x128xf32, #tpu.memory_space<vmem_shared>> -> memref<632x128xf32, #tpu.memory_space<vmem_shared>>
        tpu.enqueue_dma source(%arg6 : memref<632x128xf32, #tpu.memory_space<hbm>>) target(%dma_start3A_28 : memref<632x128xf32, #tpu.memory_space<vmem_shared>>) target_semaphore(%run_scoped3A : memref<!tpu.dma_semaphore, #tpu.memory_space<semaphore_mem>>)
        %dma_wait3A = arith.constant 0 : i32
        %dma_wait3A_29 = tpu.memref_slice %arg30[%mul3A_27, %dma_wait3A] : memref<10008x128xf32, #tpu.memory_space<vmem_shared>> -> memref<632x128xf32, #tpu.memory_space<vmem_shared>>
        tpu.wait_dma2 semaphore(%run_scoped3A : memref<!tpu.dma_semaphore, #tpu.memory_space<semaphore_mem>>) src(%arg6 : memref<632x128xf32, #tpu.memory_space<hbm>>) dst(%dma_wait3A_29 : memref<632x128xf32, #tpu.memory_space<vmem_shared>>)
        tpu.yield
      }) : () -> ()
    } else {
    }
    %eq3A = arith.constant 15 : i32
    %eq3A_2 = arith.cmpi eq, %arg1, %eq3A : i32
    %convert_element_type3A_3 = arith.extui %eq3A_2 : i1 to i32
    %cond3A_4 = arith.constant 0 : i32
    %cond3A_5 = arith.cmpi ne, %convert_element_type3A_3, %cond3A_4 : i32
    scf.if %cond3A_5 {
      "tpu.region"() ({
        %run_scoped3A = tpu.sem_alloc : memref<!tpu.dma_semaphore, #tpu.memory_space<semaphore_mem>>
        %dma_start3A = arith.constant 9480 : i32
        %dma_start3A_27 = arith.constant 0 : i32
        %dma_start3A_28 = tpu.memref_slice %arg30[%dma_start3A, %dma_start3A_27] : memref<10008x128xf32, #tpu.memory_space<vmem_shared>> -> memref<528x128xf32, #tpu.memory_space<vmem_shared>>
        %dma_start3A_29 = arith.constant 0 : i32
        %dma_start3A_30 = arith.constant 0 : i32
        %dma_start3A_31 = tpu.memref_slice %arg6[%dma_start3A_29, %dma_start3A_30] : memref<632x128xf32, #tpu.memory_space<hbm>> -> memref<528x128xf32, #tpu.memory_space<hbm>>
        tpu.enqueue_dma source(%dma_start3A_31 : memref<528x128xf32, #tpu.memory_space<hbm>>) target(%dma_start3A_28 : memref<528x128xf32, #tpu.memory_space<vmem_shared>>) target_semaphore(%run_scoped3A : memref<!tpu.dma_semaphore, #tpu.memory_space<semaphore_mem>>)
        %dma_wait3A = arith.constant 9480 : i32
        %dma_wait3A_32 = arith.constant 0 : i32
        %dma_wait3A_33 = tpu.memref_slice %arg30[%dma_wait3A, %dma_wait3A_32] : memref<10008x128xf32, #tpu.memory_space<vmem_shared>> -> memref<528x128xf32, #tpu.memory_space<vmem_shared>>
        %dma_wait3A_34 = arith.constant 0 : i32
        %dma_wait3A_35 = arith.constant 0 : i32
        %dma_wait3A_36 = tpu.memref_slice %arg6[%dma_wait3A_34, %dma_wait3A_35] : memref<632x128xf32, #tpu.memory_space<hbm>> -> memref<528x128xf32, #tpu.memory_space<hbm>>
        tpu.wait_dma2 semaphore(%run_scoped3A : memref<!tpu.dma_semaphore, #tpu.memory_space<semaphore_mem>>) src(%dma_wait3A_36 : memref<528x128xf32, #tpu.memory_space<hbm>>) dst(%dma_wait3A_33 : memref<528x128xf32, #tpu.memory_space<vmem_shared>>)
        tpu.yield
      }) : () -> ()
    } else {
    }
    %barrier3A = arith.constant 0 : index
    tpu.barrier barrier_id(%barrier3A)
    %eq3A_6 = arith.constant 0 : i32
    %eq3A_7 = arith.cmpi eq, %arg0, %eq3A_6 : i32
    %convert_element_type3A_8 = arith.extui %eq3A_7 : i1 to i32
    %cond3A_9 = arith.constant 0 : i32
    %cond3A_10 = arith.cmpi ne, %convert_element_type3A_8, %cond3A_9 : i32
    scf.if %cond3A_10 {
      %mul3A = arith.constant 20736 : i32
      %mul3A_27 = arith.muli %arg1, %mul3A : i32
      %add3A = arith.constant 0 : i32
      %add3A_28 = arith.addi %mul3A_27, %add3A : i32
      %dma_start3A = arith.constant 0 : i32
      %dma_start3A_29 = tpu.memref_slice %arg4[%dma_start3A, %add3A_28] : memref<2x331776xi32, #tpu.memory_space<hbm>> -> memref<2x128xi32, #tpu.memory_space<hbm>>
      %dma_start3A_30 = arith.constant 0 : i32
      %dma_start3A_31 = tpu.memref_slice %arg4[%dma_start3A_30, %add3A_28] : memref<2x331776xi32, #tpu.memory_space<hbm>> -> memref<2x128xi32, #tpu.memory_space<hbm>>
      tpu.enqueue_dma source(%dma_start3A_31 : memref<2x128xi32, #tpu.memory_space<hbm>>) target(%arg9 : memref<2x128xi32, #tpu.memory_space<vmem>>) target_semaphore(%arg18 : memref<!tpu.dma_semaphore, #tpu.memory_space<semaphore_mem>>)
      %add3A_32 = arith.constant 128 : i32
      %add3A_33 = arith.addi %mul3A_27, %add3A_32 : i32
      %dma_start3A_34 = arith.constant 0 : i32
      %dma_start3A_35 = tpu.memref_slice %arg4[%dma_start3A_34, %add3A_33] : memref<2x331776xi32, #tpu.memory_space<hbm>> -> memref<2x128xi32, #tpu.memory_space<hbm>>
      %dma_start3A_36 = arith.constant 0 : i32
      %dma_start3A_37 = tpu.memref_slice %arg4[%dma_start3A_36, %add3A_33] : memref<2x331776xi32, #tpu.memory_space<hbm>> -> memref<2x128xi32, #tpu.memory_space<hbm>>
      tpu.enqueue_dma source(%dma_start3A_37 : memref<2x128xi32, #tpu.memory_space<hbm>>) target(%arg10 : memref<2x128xi32, #tpu.memory_space<vmem>>) target_semaphore(%arg19 : memref<!tpu.dma_semaphore, #tpu.memory_space<semaphore_mem>>)
      %add3A_38 = arith.constant 0 : i32
      %add3A_39 = arith.addi %mul3A_27, %add3A_38 : i32
      %dma_wait3A = arith.constant 0 : i32
      %dma_wait3A_40 = tpu.memref_slice %arg4[%dma_wait3A, %add3A_39] : memref<2x331776xi32, #tpu.memory_space<hbm>> -> memref<2x128xi32, #tpu.memory_space<hbm>>
      %dma_wait3A_41 = arith.constant 0 : i32
      %dma_wait3A_42 = tpu.memref_slice %arg4[%dma_wait3A_41, %add3A_39] : memref<2x331776xi32, #tpu.memory_space<hbm>> -> memref<2x128xi32, #tpu.memory_space<hbm>>
      tpu.wait_dma2 semaphore(%arg18 : memref<!tpu.dma_semaphore, #tpu.memory_space<semaphore_mem>>) src(%dma_wait3A_42 : memref<2x128xi32, #tpu.memory_space<hbm>>) dst(%arg9 : memref<2x128xi32, #tpu.memory_space<vmem>>)
      %dma_start3A_43 = arith.constant 0 : i32
      %dma_start3A_44 = arith.constant 0 : i32
      %dma_start3A_45 = tpu.memref_slice %arg9[%dma_start3A_43, %dma_start3A_44] : memref<2x128xi32, #tpu.memory_space<vmem>> -> memref<1x128xi32, #tpu.memory_space<vmem>>
      %dma_start3A_46 = tpu.memref_squeeze %dma_start3A_45 : memref<1x128xi32, #tpu.memory_space<vmem>> -> memref<128xi32, #tpu.memory_space<vmem>>
      %dma_start3A_47 = arith.constant 0 : i32
      %dma_start3A_48 = arith.constant 0 : i32
      %dma_start3A_49 = tpu.memref_slice %arg2[%dma_start3A_47, %dma_start3A_48] : memref<10000x128xf32, #tpu.memory_space<hbm>> -> memref<10000x128xf32, #tpu.memory_space<hbm>>
      tpu.enqueue_indirect_dma source(%dma_start3A_49 : memref<10000x128xf32, #tpu.memory_space<hbm>>) target(%arg15 : memref<128x128xf32, #tpu.memory_space<vmem>>) offsets(%dma_start3A_46 : memref<128xi32, #tpu.memory_space<vmem>>) semaphore(%arg24 : memref<!tpu.dma_semaphore, #tpu.memory_space<semaphore_mem>>)
      %scan3A = arith.constant 0 : i32
      %scan3A_50 = arith.constant 0 : i32
      %scan3A_51 = arith.constant 27 : i32
      %scan3A_52 = arith.addi %scan3A_50, %scan3A_51 : i32
      %scan3A_53 = arith.constant 1 : i32
      scf.for %scan3A_69 = %scan3A_50 to %scan3A_52 step %scan3A_53  : i32 {
        %mul3A_70 = arith.constant 6 : i32
        %mul3A_71 = arith.muli %scan3A_69, %mul3A_70 : i32
        %add3A_72 = arith.constant 0 : i32
        %add3A_73 = arith.addi %mul3A_71, %add3A_72 : i32
        %ge3A = arith.constant 2 : i32
        %ge3A_74 = arith.cmpi sge, %add3A_73, %ge3A : i32
        %convert_element_type3A_75 = arith.extui %ge3A_74 : i1 to i32
        %cond3A_76 = arith.constant 0 : i32
        %cond3A_77 = arith.cmpi ne, %convert_element_type3A_75, %cond3A_76 : i32
        scf.if %cond3A_77 {
          %dma_wait3A_291 = arith.constant 1 : i32
          %dma_wait3A_292 = arith.constant 0 : i32
          %dma_wait3A_293 = tpu.memref_slice %arg13[%dma_wait3A_291, %dma_wait3A_292] : memref<2x128xi32, #tpu.memory_space<vmem>> -> memref<1x128xi32, #tpu.memory_space<vmem>>
          %dma_wait3A_294 = tpu.memref_squeeze %dma_wait3A_293 : memref<1x128xi32, #tpu.memory_space<vmem>> -> memref<128xi32, #tpu.memory_space<vmem>>
          %dma_wait3A_295 = arith.constant 0 : i32
          %dma_wait3A_296 = arith.constant 0 : i32
          %dma_wait3A_297 = tpu.memref_slice %arg30[%dma_wait3A_295, %dma_wait3A_296] : memref<10008x128xf32, #tpu.memory_space<vmem_shared>> -> memref<10008x128xf32, #tpu.memory_space<vmem_shared>>
          tpu.wait_indirect_dma semaphore(%arg28 : memref<!tpu.dma_semaphore, #tpu.memory_space<semaphore_mem>>) src(%arg16 : memref<128x128xf32, #tpu.memory_space<vmem>>) dst(%dma_wait3A_297 : memref<10008x128xf32, #tpu.memory_space<vmem_shared>>)
        } else {
        }
        %add3A_78 = arith.constant 2 : i32
        %add3A_79 = arith.addi %add3A_73, %add3A_78 : i32
        %lt3A_80 = arith.constant 162 : i32
        %lt3A_81 = arith.cmpi slt, %add3A_79, %lt3A_80 : i32
        %convert_element_type3A_82 = arith.extui %lt3A_81 : i1 to i32
        %cond3A_83 = arith.constant 0 : i32
        %cond3A_84 = arith.cmpi ne, %convert_element_type3A_82, %cond3A_83 : i32
        scf.if %cond3A_84 {
          %add3A_291 = arith.constant 2 : i32
          %add3A_292 = arith.addi %add3A_73, %add3A_291 : i32
          %mul3A_293 = arith.constant 128 : i32
          %mul3A_294 = arith.muli %add3A_292, %mul3A_293 : i32
          %add3A_295 = arith.addi %mul3A_27, %mul3A_294 : i32
          %dma_start3A_296 = arith.constant 0 : i32
          %dma_start3A_297 = tpu.memref_slice %arg4[%dma_start3A_296, %add3A_295] : memref<2x331776xi32, #tpu.memory_space<hbm>> -> memref<2x128xi32, #tpu.memory_space<hbm>>
          %dma_start3A_298 = arith.constant 0 : i32
          %dma_start3A_299 = tpu.memref_slice %arg4[%dma_start3A_298, %add3A_295] : memref<2x331776xi32, #tpu.memory_space<hbm>> -> memref<2x128xi32, #tpu.memory_space<hbm>>
          tpu.enqueue_dma source(%dma_start3A_299 : memref<2x128xi32, #tpu.memory_space<hbm>>) target(%arg11 : memref<2x128xi32, #tpu.memory_space<vmem>>) target_semaphore(%arg20 : memref<!tpu.dma_semaphore, #tpu.memory_space<semaphore_mem>>)
        } else {
        }
        %add3A_85 = arith.constant 1 : i32
        %add3A_86 = arith.addi %add3A_73, %add3A_85 : i32
        %lt3A_87 = arith.constant 162 : i32
        %lt3A_88 = arith.cmpi slt, %add3A_86, %lt3A_87 : i32
        %convert_element_type3A_89 = arith.extui %lt3A_88 : i1 to i32
        %cond3A_90 = arith.constant 0 : i32
        %cond3A_91 = arith.cmpi ne, %convert_element_type3A_89, %cond3A_90 : i32
        scf.if %cond3A_91 {
          %add3A_291 = arith.constant 1 : i32
          %add3A_292 = arith.addi %add3A_73, %add3A_291 : i32
          %mul3A_293 = arith.constant 128 : i32
          %mul3A_294 = arith.muli %add3A_292, %mul3A_293 : i32
          %add3A_295 = arith.addi %mul3A_27, %mul3A_294 : i32
          %dma_wait3A_296 = arith.constant 0 : i32
          %dma_wait3A_297 = tpu.memref_slice %arg4[%dma_wait3A_296, %add3A_295] : memref<2x331776xi32, #tpu.memory_space<hbm>> -> memref<2x128xi32, #tpu.memory_space<hbm>>
          %dma_wait3A_298 = arith.constant 0 : i32
          %dma_wait3A_299 = tpu.memref_slice %arg4[%dma_wait3A_298, %add3A_295] : memref<2x331776xi32, #tpu.memory_space<hbm>> -> memref<2x128xi32, #tpu.memory_space<hbm>>
          tpu.wait_dma2 semaphore(%arg19 : memref<!tpu.dma_semaphore, #tpu.memory_space<semaphore_mem>>) src(%dma_wait3A_299 : memref<2x128xi32, #tpu.memory_space<hbm>>) dst(%arg10 : memref<2x128xi32, #tpu.memory_space<vmem>>)
          %dma_start3A_300 = arith.constant 0 : i32
          %dma_start3A_301 = arith.constant 0 : i32
          %dma_start3A_302 = tpu.memref_slice %arg10[%dma_start3A_300, %dma_start3A_301] : memref<2x128xi32, #tpu.memory_space<vmem>> -> memref<1x128xi32, #tpu.memory_space<vmem>>
          %dma_start3A_303 = tpu.memref_squeeze %dma_start3A_302 : memref<1x128xi32, #tpu.memory_space<vmem>> -> memref<128xi32, #tpu.memory_space<vmem>>
          %dma_start3A_304 = arith.constant 0 : i32
          %dma_start3A_305 = arith.constant 0 : i32
          %dma_start3A_306 = tpu.memref_slice %arg2[%dma_start3A_304, %dma_start3A_305] : memref<10000x128xf32, #tpu.memory_space<hbm>> -> memref<10000x128xf32, #tpu.memory_space<hbm>>
          tpu.enqueue_indirect_dma source(%dma_start3A_306 : memref<10000x128xf32, #tpu.memory_space<hbm>>) target(%arg16 : memref<128x128xf32, #tpu.memory_space<vmem>>) offsets(%dma_start3A_303 : memref<128xi32, #tpu.memory_space<vmem>>) semaphore(%arg25 : memref<!tpu.dma_semaphore, #tpu.memory_space<semaphore_mem>>)
        } else {
        }
        %dma_wait3A_92 = arith.constant 0 : i32
        %dma_wait3A_93 = arith.constant 0 : i32
        %dma_wait3A_94 = tpu.memref_slice %arg9[%dma_wait3A_92, %dma_wait3A_93] : memref<2x128xi32, #tpu.memory_space<vmem>> -> memref<1x128xi32, #tpu.memory_space<vmem>>
        %dma_wait3A_95 = tpu.memref_squeeze %dma_wait3A_94 : memref<1x128xi32, #tpu.memory_space<vmem>> -> memref<128xi32, #tpu.memory_space<vmem>>
        %dma_wait3A_96 = arith.constant 0 : i32
        %dma_wait3A_97 = arith.constant 0 : i32
        %dma_wait3A_98 = tpu.memref_slice %arg2[%dma_wait3A_96, %dma_wait3A_97] : memref<10000x128xf32, #tpu.memory_space<hbm>> -> memref<10000x128xf32, #tpu.memory_space<hbm>>
        tpu.wait_indirect_dma semaphore(%arg24 : memref<!tpu.dma_semaphore, #tpu.memory_space<semaphore_mem>>) src(%dma_wait3A_98 : memref<10000x128xf32, #tpu.memory_space<hbm>>) dst(%arg15 : memref<128x128xf32, #tpu.memory_space<vmem>>)
        %dma_start3A_99 = arith.constant 1 : i32
        %dma_start3A_100 = arith.constant 0 : i32
        %dma_start3A_101 = tpu.memref_slice %arg9[%dma_start3A_99, %dma_start3A_100] : memref<2x128xi32, #tpu.memory_space<vmem>> -> memref<1x128xi32, #tpu.memory_space<vmem>>
        %dma_start3A_102 = tpu.memref_squeeze %dma_start3A_101 : memref<1x128xi32, #tpu.memory_space<vmem>> -> memref<128xi32, #tpu.memory_space<vmem>>
        %dma_start3A_103 = arith.constant 0 : i32
        %dma_start3A_104 = arith.constant 0 : i32
        %dma_start3A_105 = tpu.memref_slice %arg30[%dma_start3A_103, %dma_start3A_104] : memref<10008x128xf32, #tpu.memory_space<vmem_shared>> -> memref<10008x128xf32, #tpu.memory_space<vmem_shared>>
        tpu.enqueue_indirect_dma source(%arg15 : memref<128x128xf32, #tpu.memory_space<vmem>>) target(%dma_start3A_105 : memref<10008x128xf32, #tpu.memory_space<vmem_shared>>) offsets(%dma_start3A_102 : memref<128xi32, #tpu.memory_space<vmem>>) semaphore(%arg27 : memref<!tpu.dma_semaphore, #tpu.memory_space<semaphore_mem>>) {add = true}
        %mul3A_106 = arith.constant 6 : i32
        %mul3A_107 = arith.muli %scan3A_69, %mul3A_106 : i32
        %add3A_108 = arith.constant 1 : i32
        %add3A_109 = arith.addi %mul3A_107, %add3A_108 : i32
        %ge3A_110 = arith.constant 2 : i32
        %ge3A_111 = arith.cmpi sge, %add3A_109, %ge3A_110 : i32
        %convert_element_type3A_112 = arith.extui %ge3A_111 : i1 to i32
        %cond3A_113 = arith.constant 0 : i32
        %cond3A_114 = arith.cmpi ne, %convert_element_type3A_112, %cond3A_113 : i32
        scf.if %cond3A_114 {
          %dma_wait3A_291 = arith.constant 1 : i32
          %dma_wait3A_292 = arith.constant 0 : i32
          %dma_wait3A_293 = tpu.memref_slice %arg14[%dma_wait3A_291, %dma_wait3A_292] : memref<2x128xi32, #tpu.memory_space<vmem>> -> memref<1x128xi32, #tpu.memory_space<vmem>>
          %dma_wait3A_294 = tpu.memref_squeeze %dma_wait3A_293 : memref<1x128xi32, #tpu.memory_space<vmem>> -> memref<128xi32, #tpu.memory_space<vmem>>
          %dma_wait3A_295 = arith.constant 0 : i32
          %dma_wait3A_296 = arith.constant 0 : i32
          %dma_wait3A_297 = tpu.memref_slice %arg30[%dma_wait3A_295, %dma_wait3A_296] : memref<10008x128xf32, #tpu.memory_space<vmem_shared>> -> memref<10008x128xf32, #tpu.memory_space<vmem_shared>>
          tpu.wait_indirect_dma semaphore(%arg29 : memref<!tpu.dma_semaphore, #tpu.memory_space<semaphore_mem>>) src(%arg17 : memref<128x128xf32, #tpu.memory_space<vmem>>) dst(%dma_wait3A_297 : memref<10008x128xf32, #tpu.memory_space<vmem_shared>>)
        } else {
        }
        %add3A_115 = arith.constant 2 : i32
        %add3A_116 = arith.addi %add3A_109, %add3A_115 : i32
        %lt3A_117 = arith.constant 162 : i32
        %lt3A_118 = arith.cmpi slt, %add3A_116, %lt3A_117 : i32
        %convert_element_type3A_119 = arith.extui %lt3A_118 : i1 to i32
        %cond3A_120 = arith.constant 0 : i32
        %cond3A_121 = arith.cmpi ne, %convert_element_type3A_119, %cond3A_120 : i32
        scf.if %cond3A_121 {
          %add3A_291 = arith.constant 2 : i32
          %add3A_292 = arith.addi %add3A_109, %add3A_291 : i32
          %mul3A_293 = arith.constant 128 : i32
          %mul3A_294 = arith.muli %add3A_292, %mul3A_293 : i32
          %add3A_295 = arith.addi %mul3A_27, %mul3A_294 : i32
          %dma_start3A_296 = arith.constant 0 : i32
          %dma_start3A_297 = tpu.memref_slice %arg4[%dma_start3A_296, %add3A_295] : memref<2x331776xi32, #tpu.memory_space<hbm>> -> memref<2x128xi32, #tpu.memory_space<hbm>>
          %dma_start3A_298 = arith.constant 0 : i32
          %dma_start3A_299 = tpu.memref_slice %arg4[%dma_start3A_298, %add3A_295] : memref<2x331776xi32, #tpu.memory_space<hbm>> -> memref<2x128xi32, #tpu.memory_space<hbm>>
          tpu.enqueue_dma source(%dma_start3A_299 : memref<2x128xi32, #tpu.memory_space<hbm>>) target(%arg12 : memref<2x128xi32, #tpu.memory_space<vmem>>) target_semaphore(%arg21 : memref<!tpu.dma_semaphore, #tpu.memory_space<semaphore_mem>>)
        } else {
        }
        %add3A_122 = arith.constant 1 : i32
        %add3A_123 = arith.addi %add3A_109, %add3A_122 : i32
        %lt3A_124 = arith.constant 162 : i32
        %lt3A_125 = arith.cmpi slt, %add3A_123, %lt3A_124 : i32
        %convert_element_type3A_126 = arith.extui %lt3A_125 : i1 to i32
        %cond3A_127 = arith.constant 0 : i32
        %cond3A_128 = arith.cmpi ne, %convert_element_type3A_126, %cond3A_127 : i32
        scf.if %cond3A_128 {
          %add3A_291 = arith.constant 1 : i32
          %add3A_292 = arith.addi %add3A_109, %add3A_291 : i32
          %mul3A_293 = arith.constant 128 : i32
          %mul3A_294 = arith.muli %add3A_292, %mul3A_293 : i32
          %add3A_295 = arith.addi %mul3A_27, %mul3A_294 : i32
          %dma_wait3A_296 = arith.constant 0 : i32
          %dma_wait3A_297 = tpu.memref_slice %arg4[%dma_wait3A_296, %add3A_295] : memref<2x331776xi32, #tpu.memory_space<hbm>> -> memref<2x128xi32, #tpu.memory_space<hbm>>
          %dma_wait3A_298 = arith.constant 0 : i32
          %dma_wait3A_299 = tpu.memref_slice %arg4[%dma_wait3A_298, %add3A_295] : memref<2x331776xi32, #tpu.memory_space<hbm>> -> memref<2x128xi32, #tpu.memory_space<hbm>>
          tpu.wait_dma2 semaphore(%arg20 : memref<!tpu.dma_semaphore, #tpu.memory_space<semaphore_mem>>) src(%dma_wait3A_299 : memref<2x128xi32, #tpu.memory_space<hbm>>) dst(%arg11 : memref<2x128xi32, #tpu.memory_space<vmem>>)
          %dma_start3A_300 = arith.constant 0 : i32
          %dma_start3A_301 = arith.constant 0 : i32
          %dma_start3A_302 = tpu.memref_slice %arg11[%dma_start3A_300, %dma_start3A_301] : memref<2x128xi32, #tpu.memory_space<vmem>> -> memref<1x128xi32, #tpu.memory_space<vmem>>
          %dma_start3A_303 = tpu.memref_squeeze %dma_start3A_302 : memref<1x128xi32, #tpu.memory_space<vmem>> -> memref<128xi32, #tpu.memory_space<vmem>>
          %dma_start3A_304 = arith.constant 0 : i32
          %dma_start3A_305 = arith.constant 0 : i32
          %dma_start3A_306 = tpu.memref_slice %arg2[%dma_start3A_304, %dma_start3A_305] : memref<10000x128xf32, #tpu.memory_space<hbm>> -> memref<10000x128xf32, #tpu.memory_space<hbm>>
          tpu.enqueue_indirect_dma source(%dma_start3A_306 : memref<10000x128xf32, #tpu.memory_space<hbm>>) target(%arg17 : memref<128x128xf32, #tpu.memory_space<vmem>>) offsets(%dma_start3A_303 : memref<128xi32, #tpu.memory_space<vmem>>) semaphore(%arg26 : memref<!tpu.dma_semaphore, #tpu.memory_space<semaphore_mem>>)
        } else {
        }
        %dma_wait3A_129 = arith.constant 0 : i32
        %dma_wait3A_130 = arith.constant 0 : i32
        %dma_wait3A_131 = tpu.memref_slice %arg10[%dma_wait3A_129, %dma_wait3A_130] : memref<2x128xi32, #tpu.memory_space<vmem>> -> memref<1x128xi32, #tpu.memory_space<vmem>>
        %dma_wait3A_132 = tpu.memref_squeeze %dma_wait3A_131 : memref<1x128xi32, #tpu.memory_space<vmem>> -> memref<128xi32, #tpu.memory_space<vmem>>
        %dma_wait3A_133 = arith.constant 0 : i32
        %dma_wait3A_134 = arith.constant 0 : i32
        %dma_wait3A_135 = tpu.memref_slice %arg2[%dma_wait3A_133, %dma_wait3A_134] : memref<10000x128xf32, #tpu.memory_space<hbm>> -> memref<10000x128xf32, #tpu.memory_space<hbm>>
        tpu.wait_indirect_dma semaphore(%arg25 : memref<!tpu.dma_semaphore, #tpu.memory_space<semaphore_mem>>) src(%dma_wait3A_135 : memref<10000x128xf32, #tpu.memory_space<hbm>>) dst(%arg16 : memref<128x128xf32, #tpu.memory_space<vmem>>)
        %dma_start3A_136 = arith.constant 1 : i32
        %dma_start3A_137 = arith.constant 0 : i32
        %dma_start3A_138 = tpu.memref_slice %arg10[%dma_start3A_136, %dma_start3A_137] : memref<2x128xi32, #tpu.memory_space<vmem>> -> memref<1x128xi32, #tpu.memory_space<vmem>>
        %dma_start3A_139 = tpu.memref_squeeze %dma_start3A_138 : memref<1x128xi32, #tpu.memory_space<vmem>> -> memref<128xi32, #tpu.memory_space<vmem>>
        %dma_start3A_140 = arith.constant 0 : i32
        %dma_start3A_141 = arith.constant 0 : i32
        %dma_start3A_142 = tpu.memref_slice %arg30[%dma_start3A_140, %dma_start3A_141] : memref<10008x128xf32, #tpu.memory_space<vmem_shared>> -> memref<10008x128xf32, #tpu.memory_space<vmem_shared>>
        tpu.enqueue_indirect_dma source(%arg16 : memref<128x128xf32, #tpu.memory_space<vmem>>) target(%dma_start3A_142 : memref<10008x128xf32, #tpu.memory_space<vmem_shared>>) offsets(%dma_start3A_139 : memref<128xi32, #tpu.memory_space<vmem>>) semaphore(%arg28 : memref<!tpu.dma_semaphore, #tpu.memory_space<semaphore_mem>>) {add = true}
        %mul3A_143 = arith.constant 6 : i32
        %mul3A_144 = arith.muli %scan3A_69, %mul3A_143 : i32
        %add3A_145 = arith.constant 2 : i32
        %add3A_146 = arith.addi %mul3A_144, %add3A_145 : i32
        %ge3A_147 = arith.constant 2 : i32
        %ge3A_148 = arith.cmpi sge, %add3A_146, %ge3A_147 : i32
        %convert_element_type3A_149 = arith.extui %ge3A_148 : i1 to i32
        %cond3A_150 = arith.constant 0 : i32
        %cond3A_151 = arith.cmpi ne, %convert_element_type3A_149, %cond3A_150 : i32
        scf.if %cond3A_151 {
          %dma_wait3A_291 = arith.constant 1 : i32
          %dma_wait3A_292 = arith.constant 0 : i32
          %dma_wait3A_293 = tpu.memref_slice %arg9[%dma_wait3A_291, %dma_wait3A_292] : memref<2x128xi32, #tpu.memory_space<vmem>> -> memref<1x128xi32, #tpu.memory_space<vmem>>
          %dma_wait3A_294 = tpu.memref_squeeze %dma_wait3A_293 : memref<1x128xi32, #tpu.memory_space<vmem>> -> memref<128xi32, #tpu.memory_space<vmem>>
          %dma_wait3A_295 = arith.constant 0 : i32
          %dma_wait3A_296 = arith.constant 0 : i32
          %dma_wait3A_297 = tpu.memref_slice %arg30[%dma_wait3A_295, %dma_wait3A_296] : memref<10008x128xf32, #tpu.memory_space<vmem_shared>> -> memref<10008x128xf32, #tpu.memory_space<vmem_shared>>
          tpu.wait_indirect_dma semaphore(%arg27 : memref<!tpu.dma_semaphore, #tpu.memory_space<semaphore_mem>>) src(%arg15 : memref<128x128xf32, #tpu.memory_space<vmem>>) dst(%dma_wait3A_297 : memref<10008x128xf32, #tpu.memory_space<vmem_shared>>)
        } else {
        }
        %add3A_152 = arith.constant 2 : i32
        %add3A_153 = arith.addi %add3A_146, %add3A_152 : i32
        %lt3A_154 = arith.constant 162 : i32
        %lt3A_155 = arith.cmpi slt, %add3A_153, %lt3A_154 : i32
        %convert_element_type3A_156 = arith.extui %lt3A_155 : i1 to i32
        %cond3A_157 = arith.constant 0 : i32
        %cond3A_158 = arith.cmpi ne, %convert_element_type3A_156, %cond3A_157 : i32
        scf.if %cond3A_158 {
          %add3A_291 = arith.constant 2 : i32
          %add3A_292 = arith.addi %add3A_146, %add3A_291 : i32
          %mul3A_293 = arith.constant 128 : i32
          %mul3A_294 = arith.muli %add3A_292, %mul3A_293 : i32
          %add3A_295 = arith.addi %mul3A_27, %mul3A_294 : i32
          %dma_start3A_296 = arith.constant 0 : i32
          %dma_start3A_297 = tpu.memref_slice %arg4[%dma_start3A_296, %add3A_295] : memref<2x331776xi32, #tpu.memory_space<hbm>> -> memref<2x128xi32, #tpu.memory_space<hbm>>
          %dma_start3A_298 = arith.constant 0 : i32
          %dma_start3A_299 = tpu.memref_slice %arg4[%dma_start3A_298, %add3A_295] : memref<2x331776xi32, #tpu.memory_space<hbm>> -> memref<2x128xi32, #tpu.memory_space<hbm>>
          tpu.enqueue_dma source(%dma_start3A_299 : memref<2x128xi32, #tpu.memory_space<hbm>>) target(%arg13 : memref<2x128xi32, #tpu.memory_space<vmem>>) target_semaphore(%arg22 : memref<!tpu.dma_semaphore, #tpu.memory_space<semaphore_mem>>)
        } else {
        }
        %add3A_159 = arith.constant 1 : i32
        %add3A_160 = arith.addi %add3A_146, %add3A_159 : i32
        %lt3A_161 = arith.constant 162 : i32
        %lt3A_162 = arith.cmpi slt, %add3A_160, %lt3A_161 : i32
        %convert_element_type3A_163 = arith.extui %lt3A_162 : i1 to i32
        %cond3A_164 = arith.constant 0 : i32
        %cond3A_165 = arith.cmpi ne, %convert_element_type3A_163, %cond3A_164 : i32
        scf.if %cond3A_165 {
          %add3A_291 = arith.constant 1 : i32
          %add3A_292 = arith.addi %add3A_146, %add3A_291 : i32
          %mul3A_293 = arith.constant 128 : i32
          %mul3A_294 = arith.muli %add3A_292, %mul3A_293 : i32
          %add3A_295 = arith.addi %mul3A_27, %mul3A_294 : i32
          %dma_wait3A_296 = arith.constant 0 : i32
          %dma_wait3A_297 = tpu.memref_slice %arg4[%dma_wait3A_296, %add3A_295] : memref<2x331776xi32, #tpu.memory_space<hbm>> -> memref<2x128xi32, #tpu.memory_space<hbm>>
          %dma_wait3A_298 = arith.constant 0 : i32
          %dma_wait3A_299 = tpu.memref_slice %arg4[%dma_wait3A_298, %add3A_295] : memref<2x331776xi32, #tpu.memory_space<hbm>> -> memref<2x128xi32, #tpu.memory_space<hbm>>
          tpu.wait_dma2 semaphore(%arg21 : memref<!tpu.dma_semaphore, #tpu.memory_space<semaphore_mem>>) src(%dma_wait3A_299 : memref<2x128xi32, #tpu.memory_space<hbm>>) dst(%arg12 : memref<2x128xi32, #tpu.memory_space<vmem>>)
          %dma_start3A_300 = arith.constant 0 : i32
          %dma_start3A_301 = arith.constant 0 : i32
          %dma_start3A_302 = tpu.memref_slice %arg12[%dma_start3A_300, %dma_start3A_301] : memref<2x128xi32, #tpu.memory_space<vmem>> -> memref<1x128xi32, #tpu.memory_space<vmem>>
          %dma_start3A_303 = tpu.memref_squeeze %dma_start3A_302 : memref<1x128xi32, #tpu.memory_space<vmem>> -> memref<128xi32, #tpu.memory_space<vmem>>
          %dma_start3A_304 = arith.constant 0 : i32
          %dma_start3A_305 = arith.constant 0 : i32
          %dma_start3A_306 = tpu.memref_slice %arg2[%dma_start3A_304, %dma_start3A_305] : memref<10000x128xf32, #tpu.memory_space<hbm>> -> memref<10000x128xf32, #tpu.memory_space<hbm>>
          tpu.enqueue_indirect_dma source(%dma_start3A_306 : memref<10000x128xf32, #tpu.memory_space<hbm>>) target(%arg15 : memref<128x128xf32, #tpu.memory_space<vmem>>) offsets(%dma_start3A_303 : memref<128xi32, #tpu.memory_space<vmem>>) semaphore(%arg24 : memref<!tpu.dma_semaphore, #tpu.memory_space<semaphore_mem>>)
        } else {
        }
        %dma_wait3A_166 = arith.constant 0 : i32
        %dma_wait3A_167 = arith.constant 0 : i32
        %dma_wait3A_168 = tpu.memref_slice %arg11[%dma_wait3A_166, %dma_wait3A_167] : memref<2x128xi32, #tpu.memory_space<vmem>> -> memref<1x128xi32, #tpu.memory_space<vmem>>
        %dma_wait3A_169 = tpu.memref_squeeze %dma_wait3A_168 : memref<1x128xi32, #tpu.memory_space<vmem>> -> memref<128xi32, #tpu.memory_space<vmem>>
        %dma_wait3A_170 = arith.constant 0 : i32
        %dma_wait3A_171 = arith.constant 0 : i32
        %dma_wait3A_172 = tpu.memref_slice %arg2[%dma_wait3A_170, %dma_wait3A_171] : memref<10000x128xf32, #tpu.memory_space<hbm>> -> memref<10000x128xf32, #tpu.memory_space<hbm>>
        tpu.wait_indirect_dma semaphore(%arg26 : memref<!tpu.dma_semaphore, #tpu.memory_space<semaphore_mem>>) src(%dma_wait3A_172 : memref<10000x128xf32, #tpu.memory_space<hbm>>) dst(%arg17 : memref<128x128xf32, #tpu.memory_space<vmem>>)
        %dma_start3A_173 = arith.constant 1 : i32
        %dma_start3A_174 = arith.constant 0 : i32
        %dma_start3A_175 = tpu.memref_slice %arg11[%dma_start3A_173, %dma_start3A_174] : memref<2x128xi32, #tpu.memory_space<vmem>> -> memref<1x128xi32, #tpu.memory_space<vmem>>
        %dma_start3A_176 = tpu.memref_squeeze %dma_start3A_175 : memref<1x128xi32, #tpu.memory_space<vmem>> -> memref<128xi32, #tpu.memory_space<vmem>>
        %dma_start3A_177 = arith.constant 0 : i32
        %dma_start3A_178 = arith.constant 0 : i32
        %dma_start3A_179 = tpu.memref_slice %arg30[%dma_start3A_177, %dma_start3A_178] : memref<10008x128xf32, #tpu.memory_space<vmem_shared>> -> memref<10008x128xf32, #tpu.memory_space<vmem_shared>>
        tpu.enqueue_indirect_dma source(%arg17 : memref<128x128xf32, #tpu.memory_space<vmem>>) target(%dma_start3A_179 : memref<10008x128xf32, #tpu.memory_space<vmem_shared>>) offsets(%dma_start3A_176 : memref<128xi32, #tpu.memory_space<vmem>>) semaphore(%arg29 : memref<!tpu.dma_semaphore, #tpu.memory_space<semaphore_mem>>) {add = true}
        %mul3A_180 = arith.constant 6 : i32
        %mul3A_181 = arith.muli %scan3A_69, %mul3A_180 : i32
        %add3A_182 = arith.constant 3 : i32
        %add3A_183 = arith.addi %mul3A_181, %add3A_182 : i32
        %ge3A_184 = arith.constant 2 : i32
        %ge3A_185 = arith.cmpi sge, %add3A_183, %ge3A_184 : i32
        %convert_element_type3A_186 = arith.extui %ge3A_185 : i1 to i32
        %cond3A_187 = arith.constant 0 : i32
        %cond3A_188 = arith.cmpi ne, %convert_element_type3A_186, %cond3A_187 : i32
        scf.if %cond3A_188 {
          %dma_wait3A_291 = arith.constant 1 : i32
          %dma_wait3A_292 = arith.constant 0 : i32
          %dma_wait3A_293 = tpu.memref_slice %arg10[%dma_wait3A_291, %dma_wait3A_292] : memref<2x128xi32, #tpu.memory_space<vmem>> -> memref<1x128xi32, #tpu.memory_space<vmem>>
          %dma_wait3A_294 = tpu.memref_squeeze %dma_wait3A_293 : memref<1x128xi32, #tpu.memory_space<vmem>> -> memref<128xi32, #tpu.memory_space<vmem>>
          %dma_wait3A_295 = arith.constant 0 : i32
          %dma_wait3A_296 = arith.constant 0 : i32
          %dma_wait3A_297 = tpu.memref_slice %arg30[%dma_wait3A_295, %dma_wait3A_296] : memref<10008x128xf32, #tpu.memory_space<vmem_shared>> -> memref<10008x128xf32, #tpu.memory_space<vmem_shared>>
          tpu.wait_indirect_dma semaphore(%arg28 : memref<!tpu.dma_semaphore, #tpu.memory_space<semaphore_mem>>) src(%arg16 : memref<128x128xf32, #tpu.memory_space<vmem>>) dst(%dma_wait3A_297 : memref<10008x128xf32, #tpu.memory_space<vmem_shared>>)
        } else {
        }
        %add3A_189 = arith.constant 2 : i32
        %add3A_190 = arith.addi %add3A_183, %add3A_189 : i32
        %lt3A_191 = arith.constant 162 : i32
        %lt3A_192 = arith.cmpi slt, %add3A_190, %lt3A_191 : i32
        %convert_element_type3A_193 = arith.extui %lt3A_192 : i1 to i32
        %cond3A_194 = arith.constant 0 : i32
        %cond3A_195 = arith.cmpi ne, %convert_element_type3A_193, %cond3A_194 : i32
        scf.if %cond3A_195 {
          %add3A_291 = arith.constant 2 : i32
          %add3A_292 = arith.addi %add3A_183, %add3A_291 : i32
          %mul3A_293 = arith.constant 128 : i32
          %mul3A_294 = arith.muli %add3A_292, %mul3A_293 : i32
          %add3A_295 = arith.addi %mul3A_27, %mul3A_294 : i32
          %dma_start3A_296 = arith.constant 0 : i32
          %dma_start3A_297 = tpu.memref_slice %arg4[%dma_start3A_296, %add3A_295] : memref<2x331776xi32, #tpu.memory_space<hbm>> -> memref<2x128xi32, #tpu.memory_space<hbm>>
          %dma_start3A_298 = arith.constant 0 : i32
          %dma_start3A_299 = tpu.memref_slice %arg4[%dma_start3A_298, %add3A_295] : memref<2x331776xi32, #tpu.memory_space<hbm>> -> memref<2x128xi32, #tpu.memory_space<hbm>>
          tpu.enqueue_dma source(%dma_start3A_299 : memref<2x128xi32, #tpu.memory_space<hbm>>) target(%arg14 : memref<2x128xi32, #tpu.memory_space<vmem>>) target_semaphore(%arg23 : memref<!tpu.dma_semaphore, #tpu.memory_space<semaphore_mem>>)
        } else {
        }
        %add3A_196 = arith.constant 1 : i32
        %add3A_197 = arith.addi %add3A_183, %add3A_196 : i32
        %lt3A_198 = arith.constant 162 : i32
        %lt3A_199 = arith.cmpi slt, %add3A_197, %lt3A_198 : i32
        %convert_element_type3A_200 = arith.extui %lt3A_199 : i1 to i32
        %cond3A_201 = arith.constant 0 : i32
        %cond3A_202 = arith.cmpi ne, %convert_element_type3A_200, %cond3A_201 : i32
        scf.if %cond3A_202 {
          %add3A_291 = arith.constant 1 : i32
          %add3A_292 = arith.addi %add3A_183, %add3A_291 : i32
          %mul3A_293 = arith.constant 128 : i32
          %mul3A_294 = arith.muli %add3A_292, %mul3A_293 : i32
          %add3A_295 = arith.addi %mul3A_27, %mul3A_294 : i32
          %dma_wait3A_296 = arith.constant 0 : i32
          %dma_wait3A_297 = tpu.memref_slice %arg4[%dma_wait3A_296, %add3A_295] : memref<2x331776xi32, #tpu.memory_space<hbm>> -> memref<2x128xi32, #tpu.memory_space<hbm>>
          %dma_wait3A_298 = arith.constant 0 : i32
          %dma_wait3A_299 = tpu.memref_slice %arg4[%dma_wait3A_298, %add3A_295] : memref<2x331776xi32, #tpu.memory_space<hbm>> -> memref<2x128xi32, #tpu.memory_space<hbm>>
          tpu.wait_dma2 semaphore(%arg22 : memref<!tpu.dma_semaphore, #tpu.memory_space<semaphore_mem>>) src(%dma_wait3A_299 : memref<2x128xi32, #tpu.memory_space<hbm>>) dst(%arg13 : memref<2x128xi32, #tpu.memory_space<vmem>>)
          %dma_start3A_300 = arith.constant 0 : i32
          %dma_start3A_301 = arith.constant 0 : i32
          %dma_start3A_302 = tpu.memref_slice %arg13[%dma_start3A_300, %dma_start3A_301] : memref<2x128xi32, #tpu.memory_space<vmem>> -> memref<1x128xi32, #tpu.memory_space<vmem>>
          %dma_start3A_303 = tpu.memref_squeeze %dma_start3A_302 : memref<1x128xi32, #tpu.memory_space<vmem>> -> memref<128xi32, #tpu.memory_space<vmem>>
          %dma_start3A_304 = arith.constant 0 : i32
          %dma_start3A_305 = arith.constant 0 : i32
          %dma_start3A_306 = tpu.memref_slice %arg2[%dma_start3A_304, %dma_start3A_305] : memref<10000x128xf32, #tpu.memory_space<hbm>> -> memref<10000x128xf32, #tpu.memory_space<hbm>>
          tpu.enqueue_indirect_dma source(%dma_start3A_306 : memref<10000x128xf32, #tpu.memory_space<hbm>>) target(%arg16 : memref<128x128xf32, #tpu.memory_space<vmem>>) offsets(%dma_start3A_303 : memref<128xi32, #tpu.memory_space<vmem>>) semaphore(%arg25 : memref<!tpu.dma_semaphore, #tpu.memory_space<semaphore_mem>>)
        } else {
        }
        %dma_wait3A_203 = arith.constant 0 : i32
        %dma_wait3A_204 = arith.constant 0 : i32
        %dma_wait3A_205 = tpu.memref_slice %arg12[%dma_wait3A_203, %dma_wait3A_204] : memref<2x128xi32, #tpu.memory_space<vmem>> -> memref<1x128xi32, #tpu.memory_space<vmem>>
        %dma_wait3A_206 = tpu.memref_squeeze %dma_wait3A_205 : memref<1x128xi32, #tpu.memory_space<vmem>> -> memref<128xi32, #tpu.memory_space<vmem>>
        %dma_wait3A_207 = arith.constant 0 : i32
        %dma_wait3A_208 = arith.constant 0 : i32
        %dma_wait3A_209 = tpu.memref_slice %arg2[%dma_wait3A_207, %dma_wait3A_208] : memref<10000x128xf32, #tpu.memory_space<hbm>> -> memref<10000x128xf32, #tpu.memory_space<hbm>>
        tpu.wait_indirect_dma semaphore(%arg24 : memref<!tpu.dma_semaphore, #tpu.memory_space<semaphore_mem>>) src(%dma_wait3A_209 : memref<10000x128xf32, #tpu.memory_space<hbm>>) dst(%arg15 : memref<128x128xf32, #tpu.memory_space<vmem>>)
        %dma_start3A_210 = arith.constant 1 : i32
        %dma_start3A_211 = arith.constant 0 : i32
        %dma_start3A_212 = tpu.memref_slice %arg12[%dma_start3A_210, %dma_start3A_211] : memref<2x128xi32, #tpu.memory_space<vmem>> -> memref<1x128xi32, #tpu.memory_space<vmem>>
        %dma_start3A_213 = tpu.memref_squeeze %dma_start3A_212 : memref<1x128xi32, #tpu.memory_space<vmem>> -> memref<128xi32, #tpu.memory_space<vmem>>
        %dma_start3A_214 = arith.constant 0 : i32
        %dma_start3A_215 = arith.constant 0 : i32
        %dma_start3A_216 = tpu.memref_slice %arg30[%dma_start3A_214, %dma_start3A_215] : memref<10008x128xf32, #tpu.memory_space<vmem_shared>> -> memref<10008x128xf32, #tpu.memory_space<vmem_shared>>
        tpu.enqueue_indirect_dma source(%arg15 : memref<128x128xf32, #tpu.memory_space<vmem>>) target(%dma_start3A_216 : memref<10008x128xf32, #tpu.memory_space<vmem_shared>>) offsets(%dma_start3A_213 : memref<128xi32, #tpu.memory_space<vmem>>) semaphore(%arg27 : memref<!tpu.dma_semaphore, #tpu.memory_space<semaphore_mem>>) {add = true}
        %mul3A_217 = arith.constant 6 : i32
        %mul3A_218 = arith.muli %scan3A_69, %mul3A_217 : i32
        %add3A_219 = arith.constant 4 : i32
        %add3A_220 = arith.addi %mul3A_218, %add3A_219 : i32
        %ge3A_221 = arith.constant 2 : i32
        %ge3A_222 = arith.cmpi sge, %add3A_220, %ge3A_221 : i32
        %convert_element_type3A_223 = arith.extui %ge3A_222 : i1 to i32
        %cond3A_224 = arith.constant 0 : i32
        %cond3A_225 = arith.cmpi ne, %convert_element_type3A_223, %cond3A_224 : i32
        scf.if %cond3A_225 {
          %dma_wait3A_291 = arith.constant 1 : i32
          %dma_wait3A_292 = arith.constant 0 : i32
          %dma_wait3A_293 = tpu.memref_slice %arg11[%dma_wait3A_291, %dma_wait3A_292] : memref<2x128xi32, #tpu.memory_space<vmem>> -> memref<1x128xi32, #tpu.memory_space<vmem>>
          %dma_wait3A_294 = tpu.memref_squeeze %dma_wait3A_293 : memref<1x128xi32, #tpu.memory_space<vmem>> -> memref<128xi32, #tpu.memory_space<vmem>>
          %dma_wait3A_295 = arith.constant 0 : i32
          %dma_wait3A_296 = arith.constant 0 : i32
          %dma_wait3A_297 = tpu.memref_slice %arg30[%dma_wait3A_295, %dma_wait3A_296] : memref<10008x128xf32, #tpu.memory_space<vmem_shared>> -> memref<10008x128xf32, #tpu.memory_space<vmem_shared>>
          tpu.wait_indirect_dma semaphore(%arg29 : memref<!tpu.dma_semaphore, #tpu.memory_space<semaphore_mem>>) src(%arg17 : memref<128x128xf32, #tpu.memory_space<vmem>>) dst(%dma_wait3A_297 : memref<10008x128xf32, #tpu.memory_space<vmem_shared>>)
        } else {
        }
        %add3A_226 = arith.constant 2 : i32
        %add3A_227 = arith.addi %add3A_220, %add3A_226 : i32
        %lt3A_228 = arith.constant 162 : i32
        %lt3A_229 = arith.cmpi slt, %add3A_227, %lt3A_228 : i32
        %convert_element_type3A_230 = arith.extui %lt3A_229 : i1 to i32
        %cond3A_231 = arith.constant 0 : i32
        %cond3A_232 = arith.cmpi ne, %convert_element_type3A_230, %cond3A_231 : i32
        scf.if %cond3A_232 {
          %add3A_291 = arith.constant 2 : i32
          %add3A_292 = arith.addi %add3A_220, %add3A_291 : i32
          %mul3A_293 = arith.constant 128 : i32
          %mul3A_294 = arith.muli %add3A_292, %mul3A_293 : i32
          %add3A_295 = arith.addi %mul3A_27, %mul3A_294 : i32
          %dma_start3A_296 = arith.constant 0 : i32
          %dma_start3A_297 = tpu.memref_slice %arg4[%dma_start3A_296, %add3A_295] : memref<2x331776xi32, #tpu.memory_space<hbm>> -> memref<2x128xi32, #tpu.memory_space<hbm>>
          %dma_start3A_298 = arith.constant 0 : i32
          %dma_start3A_299 = tpu.memref_slice %arg4[%dma_start3A_298, %add3A_295] : memref<2x331776xi32, #tpu.memory_space<hbm>> -> memref<2x128xi32, #tpu.memory_space<hbm>>
          tpu.enqueue_dma source(%dma_start3A_299 : memref<2x128xi32, #tpu.memory_space<hbm>>) target(%arg9 : memref<2x128xi32, #tpu.memory_space<vmem>>) target_semaphore(%arg18 : memref<!tpu.dma_semaphore, #tpu.memory_space<semaphore_mem>>)
        } else {
        }
        %add3A_233 = arith.constant 1 : i32
        %add3A_234 = arith.addi %add3A_220, %add3A_233 : i32
        %lt3A_235 = arith.constant 162 : i32
        %lt3A_236 = arith.cmpi slt, %add3A_234, %lt3A_235 : i32
        %convert_element_type3A_237 = arith.extui %lt3A_236 : i1 to i32
        %cond3A_238 = arith.constant 0 : i32
        %cond3A_239 = arith.cmpi ne, %convert_element_type3A_237, %cond3A_238 : i32
        scf.if %cond3A_239 {
          %add3A_291 = arith.constant 1 : i32
          %add3A_292 = arith.addi %add3A_220, %add3A_291 : i32
          %mul3A_293 = arith.constant 128 : i32
          %mul3A_294 = arith.muli %add3A_292, %mul3A_293 : i32
          %add3A_295 = arith.addi %mul3A_27, %mul3A_294 : i32
          %dma_wait3A_296 = arith.constant 0 : i32
          %dma_wait3A_297 = tpu.memref_slice %arg4[%dma_wait3A_296, %add3A_295] : memref<2x331776xi32, #tpu.memory_space<hbm>> -> memref<2x128xi32, #tpu.memory_space<hbm>>
          %dma_wait3A_298 = arith.constant 0 : i32
          %dma_wait3A_299 = tpu.memref_slice %arg4[%dma_wait3A_298, %add3A_295] : memref<2x331776xi32, #tpu.memory_space<hbm>> -> memref<2x128xi32, #tpu.memory_space<hbm>>
          tpu.wait_dma2 semaphore(%arg23 : memref<!tpu.dma_semaphore, #tpu.memory_space<semaphore_mem>>) src(%dma_wait3A_299 : memref<2x128xi32, #tpu.memory_space<hbm>>) dst(%arg14 : memref<2x128xi32, #tpu.memory_space<vmem>>)
          %dma_start3A_300 = arith.constant 0 : i32
          %dma_start3A_301 = arith.constant 0 : i32
          %dma_start3A_302 = tpu.memref_slice %arg14[%dma_start3A_300, %dma_start3A_301] : memref<2x128xi32, #tpu.memory_space<vmem>> -> memref<1x128xi32, #tpu.memory_space<vmem>>
          %dma_start3A_303 = tpu.memref_squeeze %dma_start3A_302 : memref<1x128xi32, #tpu.memory_space<vmem>> -> memref<128xi32, #tpu.memory_space<vmem>>
          %dma_start3A_304 = arith.constant 0 : i32
          %dma_start3A_305 = arith.constant 0 : i32
          %dma_start3A_306 = tpu.memref_slice %arg2[%dma_start3A_304, %dma_start3A_305] : memref<10000x128xf32, #tpu.memory_space<hbm>> -> memref<10000x128xf32, #tpu.memory_space<hbm>>
          tpu.enqueue_indirect_dma source(%dma_start3A_306 : memref<10000x128xf32, #tpu.memory_space<hbm>>) target(%arg17 : memref<128x128xf32, #tpu.memory_space<vmem>>) offsets(%dma_start3A_303 : memref<128xi32, #tpu.memory_space<vmem>>) semaphore(%arg26 : memref<!tpu.dma_semaphore, #tpu.memory_space<semaphore_mem>>)
        } else {
        }
        %dma_wait3A_240 = arith.constant 0 : i32
        %dma_wait3A_241 = arith.constant 0 : i32
        %dma_wait3A_242 = tpu.memref_slice %arg13[%dma_wait3A_240, %dma_wait3A_241] : memref<2x128xi32, #tpu.memory_space<vmem>> -> memref<1x128xi32, #tpu.memory_space<vmem>>
        %dma_wait3A_243 = tpu.memref_squeeze %dma_wait3A_242 : memref<1x128xi32, #tpu.memory_space<vmem>> -> memref<128xi32, #tpu.memory_space<vmem>>
        %dma_wait3A_244 = arith.constant 0 : i32
        %dma_wait3A_245 = arith.constant 0 : i32
        %dma_wait3A_246 = tpu.memref_slice %arg2[%dma_wait3A_244, %dma_wait3A_245] : memref<10000x128xf32, #tpu.memory_space<hbm>> -> memref<10000x128xf32, #tpu.memory_space<hbm>>
        tpu.wait_indirect_dma semaphore(%arg25 : memref<!tpu.dma_semaphore, #tpu.memory_space<semaphore_mem>>) src(%dma_wait3A_246 : memref<10000x128xf32, #tpu.memory_space<hbm>>) dst(%arg16 : memref<128x128xf32, #tpu.memory_space<vmem>>)
        %dma_start3A_247 = arith.constant 1 : i32
        %dma_start3A_248 = arith.constant 0 : i32
        %dma_start3A_249 = tpu.memref_slice %arg13[%dma_start3A_247, %dma_start3A_248] : memref<2x128xi32, #tpu.memory_space<vmem>> -> memref<1x128xi32, #tpu.memory_space<vmem>>
        %dma_start3A_250 = tpu.memref_squeeze %dma_start3A_249 : memref<1x128xi32, #tpu.memory_space<vmem>> -> memref<128xi32, #tpu.memory_space<vmem>>
        %dma_start3A_251 = arith.constant 0 : i32
        %dma_start3A_252 = arith.constant 0 : i32
        %dma_start3A_253 = tpu.memref_slice %arg30[%dma_start3A_251, %dma_start3A_252] : memref<10008x128xf32, #tpu.memory_space<vmem_shared>> -> memref<10008x128xf32, #tpu.memory_space<vmem_shared>>
        tpu.enqueue_indirect_dma source(%arg16 : memref<128x128xf32, #tpu.memory_space<vmem>>) target(%dma_start3A_253 : memref<10008x128xf32, #tpu.memory_space<vmem_shared>>) offsets(%dma_start3A_250 : memref<128xi32, #tpu.memory_space<vmem>>) semaphore(%arg28 : memref<!tpu.dma_semaphore, #tpu.memory_space<semaphore_mem>>) {add = true}
        %mul3A_254 = arith.constant 6 : i32
        %mul3A_255 = arith.muli %scan3A_69, %mul3A_254 : i32
        %add3A_256 = arith.constant 5 : i32
        %add3A_257 = arith.addi %mul3A_255, %add3A_256 : i32
        %ge3A_258 = arith.constant 2 : i32
        %ge3A_259 = arith.cmpi sge, %add3A_257, %ge3A_258 : i32
        %convert_element_type3A_260 = arith.extui %ge3A_259 : i1 to i32
        %cond3A_261 = arith.constant 0 : i32
        %cond3A_262 = arith.cmpi ne, %convert_element_type3A_260, %cond3A_261 : i32
        scf.if %cond3A_262 {
          %dma_wait3A_291 = arith.constant 1 : i32
          %dma_wait3A_292 = arith.constant 0 : i32
          %dma_wait3A_293 = tpu.memref_slice %arg12[%dma_wait3A_291, %dma_wait3A_292] : memref<2x128xi32, #tpu.memory_space<vmem>> -> memref<1x128xi32, #tpu.memory_space<vmem>>
          %dma_wait3A_294 = tpu.memref_squeeze %dma_wait3A_293 : memref<1x128xi32, #tpu.memory_space<vmem>> -> memref<128xi32, #tpu.memory_space<vmem>>
          %dma_wait3A_295 = arith.constant 0 : i32
          %dma_wait3A_296 = arith.constant 0 : i32
          %dma_wait3A_297 = tpu.memref_slice %arg30[%dma_wait3A_295, %dma_wait3A_296] : memref<10008x128xf32, #tpu.memory_space<vmem_shared>> -> memref<10008x128xf32, #tpu.memory_space<vmem_shared>>
          tpu.wait_indirect_dma semaphore(%arg27 : memref<!tpu.dma_semaphore, #tpu.memory_space<semaphore_mem>>) src(%arg15 : memref<128x128xf32, #tpu.memory_space<vmem>>) dst(%dma_wait3A_297 : memref<10008x128xf32, #tpu.memory_space<vmem_shared>>)
        } else {
        }
        %add3A_263 = arith.constant 2 : i32
        %add3A_264 = arith.addi %add3A_257, %add3A_263 : i32
        %lt3A_265 = arith.constant 162 : i32
        %lt3A_266 = arith.cmpi slt, %add3A_264, %lt3A_265 : i32
        %convert_element_type3A_267 = arith.extui %lt3A_266 : i1 to i32
        %cond3A_268 = arith.constant 0 : i32
        %cond3A_269 = arith.cmpi ne, %convert_element_type3A_267, %cond3A_268 : i32
        scf.if %cond3A_269 {
          %add3A_291 = arith.constant 2 : i32
          %add3A_292 = arith.addi %add3A_257, %add3A_291 : i32
          %mul3A_293 = arith.constant 128 : i32
          %mul3A_294 = arith.muli %add3A_292, %mul3A_293 : i32
          %add3A_295 = arith.addi %mul3A_27, %mul3A_294 : i32
          %dma_start3A_296 = arith.constant 0 : i32
          %dma_start3A_297 = tpu.memref_slice %arg4[%dma_start3A_296, %add3A_295] : memref<2x331776xi32, #tpu.memory_space<hbm>> -> memref<2x128xi32, #tpu.memory_space<hbm>>
          %dma_start3A_298 = arith.constant 0 : i32
          %dma_start3A_299 = tpu.memref_slice %arg4[%dma_start3A_298, %add3A_295] : memref<2x331776xi32, #tpu.memory_space<hbm>> -> memref<2x128xi32, #tpu.memory_space<hbm>>
          tpu.enqueue_dma source(%dma_start3A_299 : memref<2x128xi32, #tpu.memory_space<hbm>>) target(%arg10 : memref<2x128xi32, #tpu.memory_space<vmem>>) target_semaphore(%arg19 : memref<!tpu.dma_semaphore, #tpu.memory_space<semaphore_mem>>)
        } else {
        }
        %add3A_270 = arith.constant 1 : i32
        %add3A_271 = arith.addi %add3A_257, %add3A_270 : i32
        %lt3A_272 = arith.constant 162 : i32
        %lt3A_273 = arith.cmpi slt, %add3A_271, %lt3A_272 : i32
        %convert_element_type3A_274 = arith.extui %lt3A_273 : i1 to i32
        %cond3A_275 = arith.constant 0 : i32
        %cond3A_276 = arith.cmpi ne, %convert_element_type3A_274, %cond3A_275 : i32
        scf.if %cond3A_276 {
          %add3A_291 = arith.constant 1 : i32
          %add3A_292 = arith.addi %add3A_257, %add3A_291 : i32
          %mul3A_293 = arith.constant 128 : i32
          %mul3A_294 = arith.muli %add3A_292, %mul3A_293 : i32
          %add3A_295 = arith.addi %mul3A_27, %mul3A_294 : i32
          %dma_wait3A_296 = arith.constant 0 : i32
          %dma_wait3A_297 = tpu.memref_slice %arg4[%dma_wait3A_296, %add3A_295] : memref<2x331776xi32, #tpu.memory_space<hbm>> -> memref<2x128xi32, #tpu.memory_space<hbm>>
          %dma_wait3A_298 = arith.constant 0 : i32
          %dma_wait3A_299 = tpu.memref_slice %arg4[%dma_wait3A_298, %add3A_295] : memref<2x331776xi32, #tpu.memory_space<hbm>> -> memref<2x128xi32, #tpu.memory_space<hbm>>
          tpu.wait_dma2 semaphore(%arg18 : memref<!tpu.dma_semaphore, #tpu.memory_space<semaphore_mem>>) src(%dma_wait3A_299 : memref<2x128xi32, #tpu.memory_space<hbm>>) dst(%arg9 : memref<2x128xi32, #tpu.memory_space<vmem>>)
          %dma_start3A_300 = arith.constant 0 : i32
          %dma_start3A_301 = arith.constant 0 : i32
          %dma_start3A_302 = tpu.memref_slice %arg9[%dma_start3A_300, %dma_start3A_301] : memref<2x128xi32, #tpu.memory_space<vmem>> -> memref<1x128xi32, #tpu.memory_space<vmem>>
          %dma_start3A_303 = tpu.memref_squeeze %dma_start3A_302 : memref<1x128xi32, #tpu.memory_space<vmem>> -> memref<128xi32, #tpu.memory_space<vmem>>
          %dma_start3A_304 = arith.constant 0 : i32
          %dma_start3A_305 = arith.constant 0 : i32
          %dma_start3A_306 = tpu.memref_slice %arg2[%dma_start3A_304, %dma_start3A_305] : memref<10000x128xf32, #tpu.memory_space<hbm>> -> memref<10000x128xf32, #tpu.memory_space<hbm>>
          tpu.enqueue_indirect_dma source(%dma_start3A_306 : memref<10000x128xf32, #tpu.memory_space<hbm>>) target(%arg15 : memref<128x128xf32, #tpu.memory_space<vmem>>) offsets(%dma_start3A_303 : memref<128xi32, #tpu.memory_space<vmem>>) semaphore(%arg24 : memref<!tpu.dma_semaphore, #tpu.memory_space<semaphore_mem>>)
        } else {
        }
        %dma_wait3A_277 = arith.constant 0 : i32
        %dma_wait3A_278 = arith.constant 0 : i32
        %dma_wait3A_279 = tpu.memref_slice %arg14[%dma_wait3A_277, %dma_wait3A_278] : memref<2x128xi32, #tpu.memory_space<vmem>> -> memref<1x128xi32, #tpu.memory_space<vmem>>
        %dma_wait3A_280 = tpu.memref_squeeze %dma_wait3A_279 : memref<1x128xi32, #tpu.memory_space<vmem>> -> memref<128xi32, #tpu.memory_space<vmem>>
        %dma_wait3A_281 = arith.constant 0 : i32
        %dma_wait3A_282 = arith.constant 0 : i32
        %dma_wait3A_283 = tpu.memref_slice %arg2[%dma_wait3A_281, %dma_wait3A_282] : memref<10000x128xf32, #tpu.memory_space<hbm>> -> memref<10000x128xf32, #tpu.memory_space<hbm>>
        tpu.wait_indirect_dma semaphore(%arg26 : memref<!tpu.dma_semaphore, #tpu.memory_space<semaphore_mem>>) src(%dma_wait3A_283 : memref<10000x128xf32, #tpu.memory_space<hbm>>) dst(%arg17 : memref<128x128xf32, #tpu.memory_space<vmem>>)
        %dma_start3A_284 = arith.constant 1 : i32
        %dma_start3A_285 = arith.constant 0 : i32
        %dma_start3A_286 = tpu.memref_slice %arg14[%dma_start3A_284, %dma_start3A_285] : memref<2x128xi32, #tpu.memory_space<vmem>> -> memref<1x128xi32, #tpu.memory_space<vmem>>
        %dma_start3A_287 = tpu.memref_squeeze %dma_start3A_286 : memref<1x128xi32, #tpu.memory_space<vmem>> -> memref<128xi32, #tpu.memory_space<vmem>>
        %dma_start3A_288 = arith.constant 0 : i32
        %dma_start3A_289 = arith.constant 0 : i32
        %dma_start3A_290 = tpu.memref_slice %arg30[%dma_start3A_288, %dma_start3A_289] : memref<10008x128xf32, #tpu.memory_space<vmem_shared>> -> memref<10008x128xf32, #tpu.memory_space<vmem_shared>>
        tpu.enqueue_indirect_dma source(%arg17 : memref<128x128xf32, #tpu.memory_space<vmem>>) target(%dma_start3A_290 : memref<10008x128xf32, #tpu.memory_space<vmem_shared>>) offsets(%dma_start3A_287 : memref<128xi32, #tpu.memory_space<vmem>>) semaphore(%arg29 : memref<!tpu.dma_semaphore, #tpu.memory_space<semaphore_mem>>) {add = true}
      }
      %scan3A_54 = arith.constant 27 : i32
      %dma_wait3A_55 = arith.constant 1 : i32
      %dma_wait3A_56 = arith.constant 0 : i32
      %dma_wait3A_57 = tpu.memref_slice %arg13[%dma_wait3A_55, %dma_wait3A_56] : memref<2x128xi32, #tpu.memory_space<vmem>> -> memref<1x128xi32, #tpu.memory_space<vmem>>
      %dma_wait3A_58 = tpu.memref_squeeze %dma_wait3A_57 : memref<1x128xi32, #tpu.memory_space<vmem>> -> memref<128xi32, #tpu.memory_space<vmem>>
      %dma_wait3A_59 = arith.constant 0 : i32
      %dma_wait3A_60 = arith.constant 0 : i32
      %dma_wait3A_61 = tpu.memref_slice %arg30[%dma_wait3A_59, %dma_wait3A_60] : memref<10008x128xf32, #tpu.memory_space<vmem_shared>> -> memref<10008x128xf32, #tpu.memory_space<vmem_shared>>
      tpu.wait_indirect_dma semaphore(%arg28 : memref<!tpu.dma_semaphore, #tpu.memory_space<semaphore_mem>>) src(%arg16 : memref<128x128xf32, #tpu.memory_space<vmem>>) dst(%dma_wait3A_61 : memref<10008x128xf32, #tpu.memory_space<vmem_shared>>)
      %dma_wait3A_62 = arith.constant 1 : i32
      %dma_wait3A_63 = arith.constant 0 : i32
      %dma_wait3A_64 = tpu.memref_slice %arg14[%dma_wait3A_62, %dma_wait3A_63] : memref<2x128xi32, #tpu.memory_space<vmem>> -> memref<1x128xi32, #tpu.memory_space<vmem>>
      %dma_wait3A_65 = tpu.memref_squeeze %dma_wait3A_64 : memref<1x128xi32, #tpu.memory_space<vmem>> -> memref<128xi32, #tpu.memory_space<vmem>>
      %dma_wait3A_66 = arith.constant 0 : i32
      %dma_wait3A_67 = arith.constant 0 : i32
      %dma_wait3A_68 = tpu.memref_slice %arg30[%dma_wait3A_66, %dma_wait3A_67] : memref<10008x128xf32, #tpu.memory_space<vmem_shared>> -> memref<10008x128xf32, #tpu.memory_space<vmem_shared>>
      tpu.wait_indirect_dma semaphore(%arg29 : memref<!tpu.dma_semaphore, #tpu.memory_space<semaphore_mem>>) src(%arg17 : memref<128x128xf32, #tpu.memory_space<vmem>>) dst(%dma_wait3A_68 : memref<10008x128xf32, #tpu.memory_space<vmem_shared>>)
    } else {
    }
    %eq3A_11 = arith.constant 1 : i32
    %eq3A_12 = arith.cmpi eq, %arg0, %eq3A_11 : i32
    %convert_element_type3A_13 = arith.extui %eq3A_12 : i1 to i32
    %cond3A_14 = arith.constant 0 : i32
    %cond3A_15 = arith.cmpi ne, %convert_element_type3A_13, %cond3A_14 : i32
    scf.if %cond3A_15 {
      %mul3A = arith.constant 20736 : i32
      %mul3A_27 = arith.muli %arg1, %mul3A : i32
      %add3A = arith.constant 0 : i32
      %add3A_28 = arith.addi %mul3A_27, %add3A : i32
      %dma_start3A = arith.constant 0 : i32
      %dma_start3A_29 = tpu.memref_slice %arg5[%dma_start3A, %add3A_28] : memref<2x331776xi32, #tpu.memory_space<hbm>> -> memref<2x128xi32, #tpu.memory_space<hbm>>
      %dma_start3A_30 = arith.constant 0 : i32
      %dma_start3A_31 = tpu.memref_slice %arg5[%dma_start3A_30, %add3A_28] : memref<2x331776xi32, #tpu.memory_space<hbm>> -> memref<2x128xi32, #tpu.memory_space<hbm>>
      tpu.enqueue_dma source(%dma_start3A_31 : memref<2x128xi32, #tpu.memory_space<hbm>>) target(%arg9 : memref<2x128xi32, #tpu.memory_space<vmem>>) target_semaphore(%arg18 : memref<!tpu.dma_semaphore, #tpu.memory_space<semaphore_mem>>)
      %add3A_32 = arith.constant 128 : i32
      %add3A_33 = arith.addi %mul3A_27, %add3A_32 : i32
      %dma_start3A_34 = arith.constant 0 : i32
      %dma_start3A_35 = tpu.memref_slice %arg5[%dma_start3A_34, %add3A_33] : memref<2x331776xi32, #tpu.memory_space<hbm>> -> memref<2x128xi32, #tpu.memory_space<hbm>>
      %dma_start3A_36 = arith.constant 0 : i32
      %dma_start3A_37 = tpu.memref_slice %arg5[%dma_start3A_36, %add3A_33] : memref<2x331776xi32, #tpu.memory_space<hbm>> -> memref<2x128xi32, #tpu.memory_space<hbm>>
      tpu.enqueue_dma source(%dma_start3A_37 : memref<2x128xi32, #tpu.memory_space<hbm>>) target(%arg10 : memref<2x128xi32, #tpu.memory_space<vmem>>) target_semaphore(%arg19 : memref<!tpu.dma_semaphore, #tpu.memory_space<semaphore_mem>>)
      %add3A_38 = arith.constant 0 : i32
      %add3A_39 = arith.addi %mul3A_27, %add3A_38 : i32
      %dma_wait3A = arith.constant 0 : i32
      %dma_wait3A_40 = tpu.memref_slice %arg5[%dma_wait3A, %add3A_39] : memref<2x331776xi32, #tpu.memory_space<hbm>> -> memref<2x128xi32, #tpu.memory_space<hbm>>
      %dma_wait3A_41 = arith.constant 0 : i32
      %dma_wait3A_42 = tpu.memref_slice %arg5[%dma_wait3A_41, %add3A_39] : memref<2x331776xi32, #tpu.memory_space<hbm>> -> memref<2x128xi32, #tpu.memory_space<hbm>>
      tpu.wait_dma2 semaphore(%arg18 : memref<!tpu.dma_semaphore, #tpu.memory_space<semaphore_mem>>) src(%dma_wait3A_42 : memref<2x128xi32, #tpu.memory_space<hbm>>) dst(%arg9 : memref<2x128xi32, #tpu.memory_space<vmem>>)
      %dma_start3A_43 = arith.constant 0 : i32
      %dma_start3A_44 = arith.constant 0 : i32
      %dma_start3A_45 = tpu.memref_slice %arg9[%dma_start3A_43, %dma_start3A_44] : memref<2x128xi32, #tpu.memory_space<vmem>> -> memref<1x128xi32, #tpu.memory_space<vmem>>
      %dma_start3A_46 = tpu.memref_squeeze %dma_start3A_45 : memref<1x128xi32, #tpu.memory_space<vmem>> -> memref<128xi32, #tpu.memory_space<vmem>>
      %dma_start3A_47 = arith.constant 0 : i32
      %dma_start3A_48 = arith.constant 0 : i32
      %dma_start3A_49 = tpu.memref_slice %arg3[%dma_start3A_47, %dma_start3A_48] : memref<10000x128xf32, #tpu.memory_space<hbm>> -> memref<10000x128xf32, #tpu.memory_space<hbm>>
      tpu.enqueue_indirect_dma source(%dma_start3A_49 : memref<10000x128xf32, #tpu.memory_space<hbm>>) target(%arg15 : memref<128x128xf32, #tpu.memory_space<vmem>>) offsets(%dma_start3A_46 : memref<128xi32, #tpu.memory_space<vmem>>) semaphore(%arg24 : memref<!tpu.dma_semaphore, #tpu.memory_space<semaphore_mem>>)
      %scan3A = arith.constant 0 : i32
      %scan3A_50 = arith.constant 0 : i32
      %scan3A_51 = arith.constant 27 : i32
      %scan3A_52 = arith.addi %scan3A_50, %scan3A_51 : i32
      %scan3A_53 = arith.constant 1 : i32
      scf.for %scan3A_69 = %scan3A_50 to %scan3A_52 step %scan3A_53  : i32 {
        %mul3A_70 = arith.constant 6 : i32
        %mul3A_71 = arith.muli %scan3A_69, %mul3A_70 : i32
        %add3A_72 = arith.constant 0 : i32
        %add3A_73 = arith.addi %mul3A_71, %add3A_72 : i32
        %ge3A = arith.constant 2 : i32
        %ge3A_74 = arith.cmpi sge, %add3A_73, %ge3A : i32
        %convert_element_type3A_75 = arith.extui %ge3A_74 : i1 to i32
        %cond3A_76 = arith.constant 0 : i32
        %cond3A_77 = arith.cmpi ne, %convert_element_type3A_75, %cond3A_76 : i32
        scf.if %cond3A_77 {
          %dma_wait3A_291 = arith.constant 1 : i32
          %dma_wait3A_292 = arith.constant 0 : i32
          %dma_wait3A_293 = tpu.memref_slice %arg13[%dma_wait3A_291, %dma_wait3A_292] : memref<2x128xi32, #tpu.memory_space<vmem>> -> memref<1x128xi32, #tpu.memory_space<vmem>>
          %dma_wait3A_294 = tpu.memref_squeeze %dma_wait3A_293 : memref<1x128xi32, #tpu.memory_space<vmem>> -> memref<128xi32, #tpu.memory_space<vmem>>
          %dma_wait3A_295 = arith.constant 0 : i32
          %dma_wait3A_296 = arith.constant 0 : i32
          %dma_wait3A_297 = tpu.memref_slice %arg30[%dma_wait3A_295, %dma_wait3A_296] : memref<10008x128xf32, #tpu.memory_space<vmem_shared>> -> memref<10008x128xf32, #tpu.memory_space<vmem_shared>>
          tpu.wait_indirect_dma semaphore(%arg28 : memref<!tpu.dma_semaphore, #tpu.memory_space<semaphore_mem>>) src(%arg16 : memref<128x128xf32, #tpu.memory_space<vmem>>) dst(%dma_wait3A_297 : memref<10008x128xf32, #tpu.memory_space<vmem_shared>>)
        } else {
        }
        %add3A_78 = arith.constant 2 : i32
        %add3A_79 = arith.addi %add3A_73, %add3A_78 : i32
        %lt3A_80 = arith.constant 162 : i32
        %lt3A_81 = arith.cmpi slt, %add3A_79, %lt3A_80 : i32
        %convert_element_type3A_82 = arith.extui %lt3A_81 : i1 to i32
        %cond3A_83 = arith.constant 0 : i32
        %cond3A_84 = arith.cmpi ne, %convert_element_type3A_82, %cond3A_83 : i32
        scf.if %cond3A_84 {
          %add3A_291 = arith.constant 2 : i32
          %add3A_292 = arith.addi %add3A_73, %add3A_291 : i32
          %mul3A_293 = arith.constant 128 : i32
          %mul3A_294 = arith.muli %add3A_292, %mul3A_293 : i32
          %add3A_295 = arith.addi %mul3A_27, %mul3A_294 : i32
          %dma_start3A_296 = arith.constant 0 : i32
          %dma_start3A_297 = tpu.memref_slice %arg5[%dma_start3A_296, %add3A_295] : memref<2x331776xi32, #tpu.memory_space<hbm>> -> memref<2x128xi32, #tpu.memory_space<hbm>>
          %dma_start3A_298 = arith.constant 0 : i32
          %dma_start3A_299 = tpu.memref_slice %arg5[%dma_start3A_298, %add3A_295] : memref<2x331776xi32, #tpu.memory_space<hbm>> -> memref<2x128xi32, #tpu.memory_space<hbm>>
          tpu.enqueue_dma source(%dma_start3A_299 : memref<2x128xi32, #tpu.memory_space<hbm>>) target(%arg11 : memref<2x128xi32, #tpu.memory_space<vmem>>) target_semaphore(%arg20 : memref<!tpu.dma_semaphore, #tpu.memory_space<semaphore_mem>>)
        } else {
        }
        %add3A_85 = arith.constant 1 : i32
        %add3A_86 = arith.addi %add3A_73, %add3A_85 : i32
        %lt3A_87 = arith.constant 162 : i32
        %lt3A_88 = arith.cmpi slt, %add3A_86, %lt3A_87 : i32
        %convert_element_type3A_89 = arith.extui %lt3A_88 : i1 to i32
        %cond3A_90 = arith.constant 0 : i32
        %cond3A_91 = arith.cmpi ne, %convert_element_type3A_89, %cond3A_90 : i32
        scf.if %cond3A_91 {
          %add3A_291 = arith.constant 1 : i32
          %add3A_292 = arith.addi %add3A_73, %add3A_291 : i32
          %mul3A_293 = arith.constant 128 : i32
          %mul3A_294 = arith.muli %add3A_292, %mul3A_293 : i32
          %add3A_295 = arith.addi %mul3A_27, %mul3A_294 : i32
          %dma_wait3A_296 = arith.constant 0 : i32
          %dma_wait3A_297 = tpu.memref_slice %arg5[%dma_wait3A_296, %add3A_295] : memref<2x331776xi32, #tpu.memory_space<hbm>> -> memref<2x128xi32, #tpu.memory_space<hbm>>
          %dma_wait3A_298 = arith.constant 0 : i32
          %dma_wait3A_299 = tpu.memref_slice %arg5[%dma_wait3A_298, %add3A_295] : memref<2x331776xi32, #tpu.memory_space<hbm>> -> memref<2x128xi32, #tpu.memory_space<hbm>>
          tpu.wait_dma2 semaphore(%arg19 : memref<!tpu.dma_semaphore, #tpu.memory_space<semaphore_mem>>) src(%dma_wait3A_299 : memref<2x128xi32, #tpu.memory_space<hbm>>) dst(%arg10 : memref<2x128xi32, #tpu.memory_space<vmem>>)
          %dma_start3A_300 = arith.constant 0 : i32
          %dma_start3A_301 = arith.constant 0 : i32
          %dma_start3A_302 = tpu.memref_slice %arg10[%dma_start3A_300, %dma_start3A_301] : memref<2x128xi32, #tpu.memory_space<vmem>> -> memref<1x128xi32, #tpu.memory_space<vmem>>
          %dma_start3A_303 = tpu.memref_squeeze %dma_start3A_302 : memref<1x128xi32, #tpu.memory_space<vmem>> -> memref<128xi32, #tpu.memory_space<vmem>>
          %dma_start3A_304 = arith.constant 0 : i32
          %dma_start3A_305 = arith.constant 0 : i32
          %dma_start3A_306 = tpu.memref_slice %arg3[%dma_start3A_304, %dma_start3A_305] : memref<10000x128xf32, #tpu.memory_space<hbm>> -> memref<10000x128xf32, #tpu.memory_space<hbm>>
          tpu.enqueue_indirect_dma source(%dma_start3A_306 : memref<10000x128xf32, #tpu.memory_space<hbm>>) target(%arg16 : memref<128x128xf32, #tpu.memory_space<vmem>>) offsets(%dma_start3A_303 : memref<128xi32, #tpu.memory_space<vmem>>) semaphore(%arg25 : memref<!tpu.dma_semaphore, #tpu.memory_space<semaphore_mem>>)
        } else {
        }
        %dma_wait3A_92 = arith.constant 0 : i32
        %dma_wait3A_93 = arith.constant 0 : i32
        %dma_wait3A_94 = tpu.memref_slice %arg9[%dma_wait3A_92, %dma_wait3A_93] : memref<2x128xi32, #tpu.memory_space<vmem>> -> memref<1x128xi32, #tpu.memory_space<vmem>>
        %dma_wait3A_95 = tpu.memref_squeeze %dma_wait3A_94 : memref<1x128xi32, #tpu.memory_space<vmem>> -> memref<128xi32, #tpu.memory_space<vmem>>
        %dma_wait3A_96 = arith.constant 0 : i32
        %dma_wait3A_97 = arith.constant 0 : i32
        %dma_wait3A_98 = tpu.memref_slice %arg3[%dma_wait3A_96, %dma_wait3A_97] : memref<10000x128xf32, #tpu.memory_space<hbm>> -> memref<10000x128xf32, #tpu.memory_space<hbm>>
        tpu.wait_indirect_dma semaphore(%arg24 : memref<!tpu.dma_semaphore, #tpu.memory_space<semaphore_mem>>) src(%dma_wait3A_98 : memref<10000x128xf32, #tpu.memory_space<hbm>>) dst(%arg15 : memref<128x128xf32, #tpu.memory_space<vmem>>)
        %dma_start3A_99 = arith.constant 1 : i32
        %dma_start3A_100 = arith.constant 0 : i32
        %dma_start3A_101 = tpu.memref_slice %arg9[%dma_start3A_99, %dma_start3A_100] : memref<2x128xi32, #tpu.memory_space<vmem>> -> memref<1x128xi32, #tpu.memory_space<vmem>>
        %dma_start3A_102 = tpu.memref_squeeze %dma_start3A_101 : memref<1x128xi32, #tpu.memory_space<vmem>> -> memref<128xi32, #tpu.memory_space<vmem>>
        %dma_start3A_103 = arith.constant 0 : i32
        %dma_start3A_104 = arith.constant 0 : i32
        %dma_start3A_105 = tpu.memref_slice %arg30[%dma_start3A_103, %dma_start3A_104] : memref<10008x128xf32, #tpu.memory_space<vmem_shared>> -> memref<10008x128xf32, #tpu.memory_space<vmem_shared>>
        tpu.enqueue_indirect_dma source(%arg15 : memref<128x128xf32, #tpu.memory_space<vmem>>) target(%dma_start3A_105 : memref<10008x128xf32, #tpu.memory_space<vmem_shared>>) offsets(%dma_start3A_102 : memref<128xi32, #tpu.memory_space<vmem>>) semaphore(%arg27 : memref<!tpu.dma_semaphore, #tpu.memory_space<semaphore_mem>>) {add = true}
        %mul3A_106 = arith.constant 6 : i32
        %mul3A_107 = arith.muli %scan3A_69, %mul3A_106 : i32
        %add3A_108 = arith.constant 1 : i32
        %add3A_109 = arith.addi %mul3A_107, %add3A_108 : i32
        %ge3A_110 = arith.constant 2 : i32
        %ge3A_111 = arith.cmpi sge, %add3A_109, %ge3A_110 : i32
        %convert_element_type3A_112 = arith.extui %ge3A_111 : i1 to i32
        %cond3A_113 = arith.constant 0 : i32
        %cond3A_114 = arith.cmpi ne, %convert_element_type3A_112, %cond3A_113 : i32
        scf.if %cond3A_114 {
          %dma_wait3A_291 = arith.constant 1 : i32
          %dma_wait3A_292 = arith.constant 0 : i32
          %dma_wait3A_293 = tpu.memref_slice %arg14[%dma_wait3A_291, %dma_wait3A_292] : memref<2x128xi32, #tpu.memory_space<vmem>> -> memref<1x128xi32, #tpu.memory_space<vmem>>
          %dma_wait3A_294 = tpu.memref_squeeze %dma_wait3A_293 : memref<1x128xi32, #tpu.memory_space<vmem>> -> memref<128xi32, #tpu.memory_space<vmem>>
          %dma_wait3A_295 = arith.constant 0 : i32
          %dma_wait3A_296 = arith.constant 0 : i32
          %dma_wait3A_297 = tpu.memref_slice %arg30[%dma_wait3A_295, %dma_wait3A_296] : memref<10008x128xf32, #tpu.memory_space<vmem_shared>> -> memref<10008x128xf32, #tpu.memory_space<vmem_shared>>
          tpu.wait_indirect_dma semaphore(%arg29 : memref<!tpu.dma_semaphore, #tpu.memory_space<semaphore_mem>>) src(%arg17 : memref<128x128xf32, #tpu.memory_space<vmem>>) dst(%dma_wait3A_297 : memref<10008x128xf32, #tpu.memory_space<vmem_shared>>)
        } else {
        }
        %add3A_115 = arith.constant 2 : i32
        %add3A_116 = arith.addi %add3A_109, %add3A_115 : i32
        %lt3A_117 = arith.constant 162 : i32
        %lt3A_118 = arith.cmpi slt, %add3A_116, %lt3A_117 : i32
        %convert_element_type3A_119 = arith.extui %lt3A_118 : i1 to i32
        %cond3A_120 = arith.constant 0 : i32
        %cond3A_121 = arith.cmpi ne, %convert_element_type3A_119, %cond3A_120 : i32
        scf.if %cond3A_121 {
          %add3A_291 = arith.constant 2 : i32
          %add3A_292 = arith.addi %add3A_109, %add3A_291 : i32
          %mul3A_293 = arith.constant 128 : i32
          %mul3A_294 = arith.muli %add3A_292, %mul3A_293 : i32
          %add3A_295 = arith.addi %mul3A_27, %mul3A_294 : i32
          %dma_start3A_296 = arith.constant 0 : i32
          %dma_start3A_297 = tpu.memref_slice %arg5[%dma_start3A_296, %add3A_295] : memref<2x331776xi32, #tpu.memory_space<hbm>> -> memref<2x128xi32, #tpu.memory_space<hbm>>
          %dma_start3A_298 = arith.constant 0 : i32
          %dma_start3A_299 = tpu.memref_slice %arg5[%dma_start3A_298, %add3A_295] : memref<2x331776xi32, #tpu.memory_space<hbm>> -> memref<2x128xi32, #tpu.memory_space<hbm>>
          tpu.enqueue_dma source(%dma_start3A_299 : memref<2x128xi32, #tpu.memory_space<hbm>>) target(%arg12 : memref<2x128xi32, #tpu.memory_space<vmem>>) target_semaphore(%arg21 : memref<!tpu.dma_semaphore, #tpu.memory_space<semaphore_mem>>)
        } else {
        }
        %add3A_122 = arith.constant 1 : i32
        %add3A_123 = arith.addi %add3A_109, %add3A_122 : i32
        %lt3A_124 = arith.constant 162 : i32
        %lt3A_125 = arith.cmpi slt, %add3A_123, %lt3A_124 : i32
        %convert_element_type3A_126 = arith.extui %lt3A_125 : i1 to i32
        %cond3A_127 = arith.constant 0 : i32
        %cond3A_128 = arith.cmpi ne, %convert_element_type3A_126, %cond3A_127 : i32
        scf.if %cond3A_128 {
          %add3A_291 = arith.constant 1 : i32
          %add3A_292 = arith.addi %add3A_109, %add3A_291 : i32
          %mul3A_293 = arith.constant 128 : i32
          %mul3A_294 = arith.muli %add3A_292, %mul3A_293 : i32
          %add3A_295 = arith.addi %mul3A_27, %mul3A_294 : i32
          %dma_wait3A_296 = arith.constant 0 : i32
          %dma_wait3A_297 = tpu.memref_slice %arg5[%dma_wait3A_296, %add3A_295] : memref<2x331776xi32, #tpu.memory_space<hbm>> -> memref<2x128xi32, #tpu.memory_space<hbm>>
          %dma_wait3A_298 = arith.constant 0 : i32
          %dma_wait3A_299 = tpu.memref_slice %arg5[%dma_wait3A_298, %add3A_295] : memref<2x331776xi32, #tpu.memory_space<hbm>> -> memref<2x128xi32, #tpu.memory_space<hbm>>
          tpu.wait_dma2 semaphore(%arg20 : memref<!tpu.dma_semaphore, #tpu.memory_space<semaphore_mem>>) src(%dma_wait3A_299 : memref<2x128xi32, #tpu.memory_space<hbm>>) dst(%arg11 : memref<2x128xi32, #tpu.memory_space<vmem>>)
          %dma_start3A_300 = arith.constant 0 : i32
          %dma_start3A_301 = arith.constant 0 : i32
          %dma_start3A_302 = tpu.memref_slice %arg11[%dma_start3A_300, %dma_start3A_301] : memref<2x128xi32, #tpu.memory_space<vmem>> -> memref<1x128xi32, #tpu.memory_space<vmem>>
          %dma_start3A_303 = tpu.memref_squeeze %dma_start3A_302 : memref<1x128xi32, #tpu.memory_space<vmem>> -> memref<128xi32, #tpu.memory_space<vmem>>
          %dma_start3A_304 = arith.constant 0 : i32
          %dma_start3A_305 = arith.constant 0 : i32
          %dma_start3A_306 = tpu.memref_slice %arg3[%dma_start3A_304, %dma_start3A_305] : memref<10000x128xf32, #tpu.memory_space<hbm>> -> memref<10000x128xf32, #tpu.memory_space<hbm>>
          tpu.enqueue_indirect_dma source(%dma_start3A_306 : memref<10000x128xf32, #tpu.memory_space<hbm>>) target(%arg17 : memref<128x128xf32, #tpu.memory_space<vmem>>) offsets(%dma_start3A_303 : memref<128xi32, #tpu.memory_space<vmem>>) semaphore(%arg26 : memref<!tpu.dma_semaphore, #tpu.memory_space<semaphore_mem>>)
        } else {
        }
        %dma_wait3A_129 = arith.constant 0 : i32
        %dma_wait3A_130 = arith.constant 0 : i32
        %dma_wait3A_131 = tpu.memref_slice %arg10[%dma_wait3A_129, %dma_wait3A_130] : memref<2x128xi32, #tpu.memory_space<vmem>> -> memref<1x128xi32, #tpu.memory_space<vmem>>
        %dma_wait3A_132 = tpu.memref_squeeze %dma_wait3A_131 : memref<1x128xi32, #tpu.memory_space<vmem>> -> memref<128xi32, #tpu.memory_space<vmem>>
        %dma_wait3A_133 = arith.constant 0 : i32
        %dma_wait3A_134 = arith.constant 0 : i32
        %dma_wait3A_135 = tpu.memref_slice %arg3[%dma_wait3A_133, %dma_wait3A_134] : memref<10000x128xf32, #tpu.memory_space<hbm>> -> memref<10000x128xf32, #tpu.memory_space<hbm>>
        tpu.wait_indirect_dma semaphore(%arg25 : memref<!tpu.dma_semaphore, #tpu.memory_space<semaphore_mem>>) src(%dma_wait3A_135 : memref<10000x128xf32, #tpu.memory_space<hbm>>) dst(%arg16 : memref<128x128xf32, #tpu.memory_space<vmem>>)
        %dma_start3A_136 = arith.constant 1 : i32
        %dma_start3A_137 = arith.constant 0 : i32
        %dma_start3A_138 = tpu.memref_slice %arg10[%dma_start3A_136, %dma_start3A_137] : memref<2x128xi32, #tpu.memory_space<vmem>> -> memref<1x128xi32, #tpu.memory_space<vmem>>
        %dma_start3A_139 = tpu.memref_squeeze %dma_start3A_138 : memref<1x128xi32, #tpu.memory_space<vmem>> -> memref<128xi32, #tpu.memory_space<vmem>>
        %dma_start3A_140 = arith.constant 0 : i32
        %dma_start3A_141 = arith.constant 0 : i32
        %dma_start3A_142 = tpu.memref_slice %arg30[%dma_start3A_140, %dma_start3A_141] : memref<10008x128xf32, #tpu.memory_space<vmem_shared>> -> memref<10008x128xf32, #tpu.memory_space<vmem_shared>>
        tpu.enqueue_indirect_dma source(%arg16 : memref<128x128xf32, #tpu.memory_space<vmem>>) target(%dma_start3A_142 : memref<10008x128xf32, #tpu.memory_space<vmem_shared>>) offsets(%dma_start3A_139 : memref<128xi32, #tpu.memory_space<vmem>>) semaphore(%arg28 : memref<!tpu.dma_semaphore, #tpu.memory_space<semaphore_mem>>) {add = true}
        %mul3A_143 = arith.constant 6 : i32
        %mul3A_144 = arith.muli %scan3A_69, %mul3A_143 : i32
        %add3A_145 = arith.constant 2 : i32
        %add3A_146 = arith.addi %mul3A_144, %add3A_145 : i32
        %ge3A_147 = arith.constant 2 : i32
        %ge3A_148 = arith.cmpi sge, %add3A_146, %ge3A_147 : i32
        %convert_element_type3A_149 = arith.extui %ge3A_148 : i1 to i32
        %cond3A_150 = arith.constant 0 : i32
        %cond3A_151 = arith.cmpi ne, %convert_element_type3A_149, %cond3A_150 : i32
        scf.if %cond3A_151 {
          %dma_wait3A_291 = arith.constant 1 : i32
          %dma_wait3A_292 = arith.constant 0 : i32
          %dma_wait3A_293 = tpu.memref_slice %arg9[%dma_wait3A_291, %dma_wait3A_292] : memref<2x128xi32, #tpu.memory_space<vmem>> -> memref<1x128xi32, #tpu.memory_space<vmem>>
          %dma_wait3A_294 = tpu.memref_squeeze %dma_wait3A_293 : memref<1x128xi32, #tpu.memory_space<vmem>> -> memref<128xi32, #tpu.memory_space<vmem>>
          %dma_wait3A_295 = arith.constant 0 : i32
          %dma_wait3A_296 = arith.constant 0 : i32
          %dma_wait3A_297 = tpu.memref_slice %arg30[%dma_wait3A_295, %dma_wait3A_296] : memref<10008x128xf32, #tpu.memory_space<vmem_shared>> -> memref<10008x128xf32, #tpu.memory_space<vmem_shared>>
          tpu.wait_indirect_dma semaphore(%arg27 : memref<!tpu.dma_semaphore, #tpu.memory_space<semaphore_mem>>) src(%arg15 : memref<128x128xf32, #tpu.memory_space<vmem>>) dst(%dma_wait3A_297 : memref<10008x128xf32, #tpu.memory_space<vmem_shared>>)
        } else {
        }
        %add3A_152 = arith.constant 2 : i32
        %add3A_153 = arith.addi %add3A_146, %add3A_152 : i32
        %lt3A_154 = arith.constant 162 : i32
        %lt3A_155 = arith.cmpi slt, %add3A_153, %lt3A_154 : i32
        %convert_element_type3A_156 = arith.extui %lt3A_155 : i1 to i32
        %cond3A_157 = arith.constant 0 : i32
        %cond3A_158 = arith.cmpi ne, %convert_element_type3A_156, %cond3A_157 : i32
        scf.if %cond3A_158 {
          %add3A_291 = arith.constant 2 : i32
          %add3A_292 = arith.addi %add3A_146, %add3A_291 : i32
          %mul3A_293 = arith.constant 128 : i32
          %mul3A_294 = arith.muli %add3A_292, %mul3A_293 : i32
          %add3A_295 = arith.addi %mul3A_27, %mul3A_294 : i32
          %dma_start3A_296 = arith.constant 0 : i32
          %dma_start3A_297 = tpu.memref_slice %arg5[%dma_start3A_296, %add3A_295] : memref<2x331776xi32, #tpu.memory_space<hbm>> -> memref<2x128xi32, #tpu.memory_space<hbm>>
          %dma_start3A_298 = arith.constant 0 : i32
          %dma_start3A_299 = tpu.memref_slice %arg5[%dma_start3A_298, %add3A_295] : memref<2x331776xi32, #tpu.memory_space<hbm>> -> memref<2x128xi32, #tpu.memory_space<hbm>>
          tpu.enqueue_dma source(%dma_start3A_299 : memref<2x128xi32, #tpu.memory_space<hbm>>) target(%arg13 : memref<2x128xi32, #tpu.memory_space<vmem>>) target_semaphore(%arg22 : memref<!tpu.dma_semaphore, #tpu.memory_space<semaphore_mem>>)
        } else {
        }
        %add3A_159 = arith.constant 1 : i32
        %add3A_160 = arith.addi %add3A_146, %add3A_159 : i32
        %lt3A_161 = arith.constant 162 : i32
        %lt3A_162 = arith.cmpi slt, %add3A_160, %lt3A_161 : i32
        %convert_element_type3A_163 = arith.extui %lt3A_162 : i1 to i32
        %cond3A_164 = arith.constant 0 : i32
        %cond3A_165 = arith.cmpi ne, %convert_element_type3A_163, %cond3A_164 : i32
        scf.if %cond3A_165 {
          %add3A_291 = arith.constant 1 : i32
          %add3A_292 = arith.addi %add3A_146, %add3A_291 : i32
          %mul3A_293 = arith.constant 128 : i32
          %mul3A_294 = arith.muli %add3A_292, %mul3A_293 : i32
          %add3A_295 = arith.addi %mul3A_27, %mul3A_294 : i32
          %dma_wait3A_296 = arith.constant 0 : i32
          %dma_wait3A_297 = tpu.memref_slice %arg5[%dma_wait3A_296, %add3A_295] : memref<2x331776xi32, #tpu.memory_space<hbm>> -> memref<2x128xi32, #tpu.memory_space<hbm>>
          %dma_wait3A_298 = arith.constant 0 : i32
          %dma_wait3A_299 = tpu.memref_slice %arg5[%dma_wait3A_298, %add3A_295] : memref<2x331776xi32, #tpu.memory_space<hbm>> -> memref<2x128xi32, #tpu.memory_space<hbm>>
          tpu.wait_dma2 semaphore(%arg21 : memref<!tpu.dma_semaphore, #tpu.memory_space<semaphore_mem>>) src(%dma_wait3A_299 : memref<2x128xi32, #tpu.memory_space<hbm>>) dst(%arg12 : memref<2x128xi32, #tpu.memory_space<vmem>>)
          %dma_start3A_300 = arith.constant 0 : i32
          %dma_start3A_301 = arith.constant 0 : i32
          %dma_start3A_302 = tpu.memref_slice %arg12[%dma_start3A_300, %dma_start3A_301] : memref<2x128xi32, #tpu.memory_space<vmem>> -> memref<1x128xi32, #tpu.memory_space<vmem>>
          %dma_start3A_303 = tpu.memref_squeeze %dma_start3A_302 : memref<1x128xi32, #tpu.memory_space<vmem>> -> memref<128xi32, #tpu.memory_space<vmem>>
          %dma_start3A_304 = arith.constant 0 : i32
          %dma_start3A_305 = arith.constant 0 : i32
          %dma_start3A_306 = tpu.memref_slice %arg3[%dma_start3A_304, %dma_start3A_305] : memref<10000x128xf32, #tpu.memory_space<hbm>> -> memref<10000x128xf32, #tpu.memory_space<hbm>>
          tpu.enqueue_indirect_dma source(%dma_start3A_306 : memref<10000x128xf32, #tpu.memory_space<hbm>>) target(%arg15 : memref<128x128xf32, #tpu.memory_space<vmem>>) offsets(%dma_start3A_303 : memref<128xi32, #tpu.memory_space<vmem>>) semaphore(%arg24 : memref<!tpu.dma_semaphore, #tpu.memory_space<semaphore_mem>>)
        } else {
        }
        %dma_wait3A_166 = arith.constant 0 : i32
        %dma_wait3A_167 = arith.constant 0 : i32
        %dma_wait3A_168 = tpu.memref_slice %arg11[%dma_wait3A_166, %dma_wait3A_167] : memref<2x128xi32, #tpu.memory_space<vmem>> -> memref<1x128xi32, #tpu.memory_space<vmem>>
        %dma_wait3A_169 = tpu.memref_squeeze %dma_wait3A_168 : memref<1x128xi32, #tpu.memory_space<vmem>> -> memref<128xi32, #tpu.memory_space<vmem>>
        %dma_wait3A_170 = arith.constant 0 : i32
        %dma_wait3A_171 = arith.constant 0 : i32
        %dma_wait3A_172 = tpu.memref_slice %arg3[%dma_wait3A_170, %dma_wait3A_171] : memref<10000x128xf32, #tpu.memory_space<hbm>> -> memref<10000x128xf32, #tpu.memory_space<hbm>>
        tpu.wait_indirect_dma semaphore(%arg26 : memref<!tpu.dma_semaphore, #tpu.memory_space<semaphore_mem>>) src(%dma_wait3A_172 : memref<10000x128xf32, #tpu.memory_space<hbm>>) dst(%arg17 : memref<128x128xf32, #tpu.memory_space<vmem>>)
        %dma_start3A_173 = arith.constant 1 : i32
        %dma_start3A_174 = arith.constant 0 : i32
        %dma_start3A_175 = tpu.memref_slice %arg11[%dma_start3A_173, %dma_start3A_174] : memref<2x128xi32, #tpu.memory_space<vmem>> -> memref<1x128xi32, #tpu.memory_space<vmem>>
        %dma_start3A_176 = tpu.memref_squeeze %dma_start3A_175 : memref<1x128xi32, #tpu.memory_space<vmem>> -> memref<128xi32, #tpu.memory_space<vmem>>
        %dma_start3A_177 = arith.constant 0 : i32
        %dma_start3A_178 = arith.constant 0 : i32
        %dma_start3A_179 = tpu.memref_slice %arg30[%dma_start3A_177, %dma_start3A_178] : memref<10008x128xf32, #tpu.memory_space<vmem_shared>> -> memref<10008x128xf32, #tpu.memory_space<vmem_shared>>
        tpu.enqueue_indirect_dma source(%arg17 : memref<128x128xf32, #tpu.memory_space<vmem>>) target(%dma_start3A_179 : memref<10008x128xf32, #tpu.memory_space<vmem_shared>>) offsets(%dma_start3A_176 : memref<128xi32, #tpu.memory_space<vmem>>) semaphore(%arg29 : memref<!tpu.dma_semaphore, #tpu.memory_space<semaphore_mem>>) {add = true}
        %mul3A_180 = arith.constant 6 : i32
        %mul3A_181 = arith.muli %scan3A_69, %mul3A_180 : i32
        %add3A_182 = arith.constant 3 : i32
        %add3A_183 = arith.addi %mul3A_181, %add3A_182 : i32
        %ge3A_184 = arith.constant 2 : i32
        %ge3A_185 = arith.cmpi sge, %add3A_183, %ge3A_184 : i32
        %convert_element_type3A_186 = arith.extui %ge3A_185 : i1 to i32
        %cond3A_187 = arith.constant 0 : i32
        %cond3A_188 = arith.cmpi ne, %convert_element_type3A_186, %cond3A_187 : i32
        scf.if %cond3A_188 {
          %dma_wait3A_291 = arith.constant 1 : i32
          %dma_wait3A_292 = arith.constant 0 : i32
          %dma_wait3A_293 = tpu.memref_slice %arg10[%dma_wait3A_291, %dma_wait3A_292] : memref<2x128xi32, #tpu.memory_space<vmem>> -> memref<1x128xi32, #tpu.memory_space<vmem>>
          %dma_wait3A_294 = tpu.memref_squeeze %dma_wait3A_293 : memref<1x128xi32, #tpu.memory_space<vmem>> -> memref<128xi32, #tpu.memory_space<vmem>>
          %dma_wait3A_295 = arith.constant 0 : i32
          %dma_wait3A_296 = arith.constant 0 : i32
          %dma_wait3A_297 = tpu.memref_slice %arg30[%dma_wait3A_295, %dma_wait3A_296] : memref<10008x128xf32, #tpu.memory_space<vmem_shared>> -> memref<10008x128xf32, #tpu.memory_space<vmem_shared>>
          tpu.wait_indirect_dma semaphore(%arg28 : memref<!tpu.dma_semaphore, #tpu.memory_space<semaphore_mem>>) src(%arg16 : memref<128x128xf32, #tpu.memory_space<vmem>>) dst(%dma_wait3A_297 : memref<10008x128xf32, #tpu.memory_space<vmem_shared>>)
        } else {
        }
        %add3A_189 = arith.constant 2 : i32
        %add3A_190 = arith.addi %add3A_183, %add3A_189 : i32
        %lt3A_191 = arith.constant 162 : i32
        %lt3A_192 = arith.cmpi slt, %add3A_190, %lt3A_191 : i32
        %convert_element_type3A_193 = arith.extui %lt3A_192 : i1 to i32
        %cond3A_194 = arith.constant 0 : i32
        %cond3A_195 = arith.cmpi ne, %convert_element_type3A_193, %cond3A_194 : i32
        scf.if %cond3A_195 {
          %add3A_291 = arith.constant 2 : i32
          %add3A_292 = arith.addi %add3A_183, %add3A_291 : i32
          %mul3A_293 = arith.constant 128 : i32
          %mul3A_294 = arith.muli %add3A_292, %mul3A_293 : i32
          %add3A_295 = arith.addi %mul3A_27, %mul3A_294 : i32
          %dma_start3A_296 = arith.constant 0 : i32
          %dma_start3A_297 = tpu.memref_slice %arg5[%dma_start3A_296, %add3A_295] : memref<2x331776xi32, #tpu.memory_space<hbm>> -> memref<2x128xi32, #tpu.memory_space<hbm>>
          %dma_start3A_298 = arith.constant 0 : i32
          %dma_start3A_299 = tpu.memref_slice %arg5[%dma_start3A_298, %add3A_295] : memref<2x331776xi32, #tpu.memory_space<hbm>> -> memref<2x128xi32, #tpu.memory_space<hbm>>
          tpu.enqueue_dma source(%dma_start3A_299 : memref<2x128xi32, #tpu.memory_space<hbm>>) target(%arg14 : memref<2x128xi32, #tpu.memory_space<vmem>>) target_semaphore(%arg23 : memref<!tpu.dma_semaphore, #tpu.memory_space<semaphore_mem>>)
        } else {
        }
        %add3A_196 = arith.constant 1 : i32
        %add3A_197 = arith.addi %add3A_183, %add3A_196 : i32
        %lt3A_198 = arith.constant 162 : i32
        %lt3A_199 = arith.cmpi slt, %add3A_197, %lt3A_198 : i32
        %convert_element_type3A_200 = arith.extui %lt3A_199 : i1 to i32
        %cond3A_201 = arith.constant 0 : i32
        %cond3A_202 = arith.cmpi ne, %convert_element_type3A_200, %cond3A_201 : i32
        scf.if %cond3A_202 {
          %add3A_291 = arith.constant 1 : i32
          %add3A_292 = arith.addi %add3A_183, %add3A_291 : i32
          %mul3A_293 = arith.constant 128 : i32
          %mul3A_294 = arith.muli %add3A_292, %mul3A_293 : i32
          %add3A_295 = arith.addi %mul3A_27, %mul3A_294 : i32
          %dma_wait3A_296 = arith.constant 0 : i32
          %dma_wait3A_297 = tpu.memref_slice %arg5[%dma_wait3A_296, %add3A_295] : memref<2x331776xi32, #tpu.memory_space<hbm>> -> memref<2x128xi32, #tpu.memory_space<hbm>>
          %dma_wait3A_298 = arith.constant 0 : i32
          %dma_wait3A_299 = tpu.memref_slice %arg5[%dma_wait3A_298, %add3A_295] : memref<2x331776xi32, #tpu.memory_space<hbm>> -> memref<2x128xi32, #tpu.memory_space<hbm>>
          tpu.wait_dma2 semaphore(%arg22 : memref<!tpu.dma_semaphore, #tpu.memory_space<semaphore_mem>>) src(%dma_wait3A_299 : memref<2x128xi32, #tpu.memory_space<hbm>>) dst(%arg13 : memref<2x128xi32, #tpu.memory_space<vmem>>)
          %dma_start3A_300 = arith.constant 0 : i32
          %dma_start3A_301 = arith.constant 0 : i32
          %dma_start3A_302 = tpu.memref_slice %arg13[%dma_start3A_300, %dma_start3A_301] : memref<2x128xi32, #tpu.memory_space<vmem>> -> memref<1x128xi32, #tpu.memory_space<vmem>>
          %dma_start3A_303 = tpu.memref_squeeze %dma_start3A_302 : memref<1x128xi32, #tpu.memory_space<vmem>> -> memref<128xi32, #tpu.memory_space<vmem>>
          %dma_start3A_304 = arith.constant 0 : i32
          %dma_start3A_305 = arith.constant 0 : i32
          %dma_start3A_306 = tpu.memref_slice %arg3[%dma_start3A_304, %dma_start3A_305] : memref<10000x128xf32, #tpu.memory_space<hbm>> -> memref<10000x128xf32, #tpu.memory_space<hbm>>
          tpu.enqueue_indirect_dma source(%dma_start3A_306 : memref<10000x128xf32, #tpu.memory_space<hbm>>) target(%arg16 : memref<128x128xf32, #tpu.memory_space<vmem>>) offsets(%dma_start3A_303 : memref<128xi32, #tpu.memory_space<vmem>>) semaphore(%arg25 : memref<!tpu.dma_semaphore, #tpu.memory_space<semaphore_mem>>)
        } else {
        }
        %dma_wait3A_203 = arith.constant 0 : i32
        %dma_wait3A_204 = arith.constant 0 : i32
        %dma_wait3A_205 = tpu.memref_slice %arg12[%dma_wait3A_203, %dma_wait3A_204] : memref<2x128xi32, #tpu.memory_space<vmem>> -> memref<1x128xi32, #tpu.memory_space<vmem>>
        %dma_wait3A_206 = tpu.memref_squeeze %dma_wait3A_205 : memref<1x128xi32, #tpu.memory_space<vmem>> -> memref<128xi32, #tpu.memory_space<vmem>>
        %dma_wait3A_207 = arith.constant 0 : i32
        %dma_wait3A_208 = arith.constant 0 : i32
        %dma_wait3A_209 = tpu.memref_slice %arg3[%dma_wait3A_207, %dma_wait3A_208] : memref<10000x128xf32, #tpu.memory_space<hbm>> -> memref<10000x128xf32, #tpu.memory_space<hbm>>
        tpu.wait_indirect_dma semaphore(%arg24 : memref<!tpu.dma_semaphore, #tpu.memory_space<semaphore_mem>>) src(%dma_wait3A_209 : memref<10000x128xf32, #tpu.memory_space<hbm>>) dst(%arg15 : memref<128x128xf32, #tpu.memory_space<vmem>>)
        %dma_start3A_210 = arith.constant 1 : i32
        %dma_start3A_211 = arith.constant 0 : i32
        %dma_start3A_212 = tpu.memref_slice %arg12[%dma_start3A_210, %dma_start3A_211] : memref<2x128xi32, #tpu.memory_space<vmem>> -> memref<1x128xi32, #tpu.memory_space<vmem>>
        %dma_start3A_213 = tpu.memref_squeeze %dma_start3A_212 : memref<1x128xi32, #tpu.memory_space<vmem>> -> memref<128xi32, #tpu.memory_space<vmem>>
        %dma_start3A_214 = arith.constant 0 : i32
        %dma_start3A_215 = arith.constant 0 : i32
        %dma_start3A_216 = tpu.memref_slice %arg30[%dma_start3A_214, %dma_start3A_215] : memref<10008x128xf32, #tpu.memory_space<vmem_shared>> -> memref<10008x128xf32, #tpu.memory_space<vmem_shared>>
        tpu.enqueue_indirect_dma source(%arg15 : memref<128x128xf32, #tpu.memory_space<vmem>>) target(%dma_start3A_216 : memref<10008x128xf32, #tpu.memory_space<vmem_shared>>) offsets(%dma_start3A_213 : memref<128xi32, #tpu.memory_space<vmem>>) semaphore(%arg27 : memref<!tpu.dma_semaphore, #tpu.memory_space<semaphore_mem>>) {add = true}
        %mul3A_217 = arith.constant 6 : i32
        %mul3A_218 = arith.muli %scan3A_69, %mul3A_217 : i32
        %add3A_219 = arith.constant 4 : i32
        %add3A_220 = arith.addi %mul3A_218, %add3A_219 : i32
        %ge3A_221 = arith.constant 2 : i32
        %ge3A_222 = arith.cmpi sge, %add3A_220, %ge3A_221 : i32
        %convert_element_type3A_223 = arith.extui %ge3A_222 : i1 to i32
        %cond3A_224 = arith.constant 0 : i32
        %cond3A_225 = arith.cmpi ne, %convert_element_type3A_223, %cond3A_224 : i32
        scf.if %cond3A_225 {
          %dma_wait3A_291 = arith.constant 1 : i32
          %dma_wait3A_292 = arith.constant 0 : i32
          %dma_wait3A_293 = tpu.memref_slice %arg11[%dma_wait3A_291, %dma_wait3A_292] : memref<2x128xi32, #tpu.memory_space<vmem>> -> memref<1x128xi32, #tpu.memory_space<vmem>>
          %dma_wait3A_294 = tpu.memref_squeeze %dma_wait3A_293 : memref<1x128xi32, #tpu.memory_space<vmem>> -> memref<128xi32, #tpu.memory_space<vmem>>
          %dma_wait3A_295 = arith.constant 0 : i32
          %dma_wait3A_296 = arith.constant 0 : i32
          %dma_wait3A_297 = tpu.memref_slice %arg30[%dma_wait3A_295, %dma_wait3A_296] : memref<10008x128xf32, #tpu.memory_space<vmem_shared>> -> memref<10008x128xf32, #tpu.memory_space<vmem_shared>>
          tpu.wait_indirect_dma semaphore(%arg29 : memref<!tpu.dma_semaphore, #tpu.memory_space<semaphore_mem>>) src(%arg17 : memref<128x128xf32, #tpu.memory_space<vmem>>) dst(%dma_wait3A_297 : memref<10008x128xf32, #tpu.memory_space<vmem_shared>>)
        } else {
        }
        %add3A_226 = arith.constant 2 : i32
        %add3A_227 = arith.addi %add3A_220, %add3A_226 : i32
        %lt3A_228 = arith.constant 162 : i32
        %lt3A_229 = arith.cmpi slt, %add3A_227, %lt3A_228 : i32
        %convert_element_type3A_230 = arith.extui %lt3A_229 : i1 to i32
        %cond3A_231 = arith.constant 0 : i32
        %cond3A_232 = arith.cmpi ne, %convert_element_type3A_230, %cond3A_231 : i32
        scf.if %cond3A_232 {
          %add3A_291 = arith.constant 2 : i32
          %add3A_292 = arith.addi %add3A_220, %add3A_291 : i32
          %mul3A_293 = arith.constant 128 : i32
          %mul3A_294 = arith.muli %add3A_292, %mul3A_293 : i32
          %add3A_295 = arith.addi %mul3A_27, %mul3A_294 : i32
          %dma_start3A_296 = arith.constant 0 : i32
          %dma_start3A_297 = tpu.memref_slice %arg5[%dma_start3A_296, %add3A_295] : memref<2x331776xi32, #tpu.memory_space<hbm>> -> memref<2x128xi32, #tpu.memory_space<hbm>>
          %dma_start3A_298 = arith.constant 0 : i32
          %dma_start3A_299 = tpu.memref_slice %arg5[%dma_start3A_298, %add3A_295] : memref<2x331776xi32, #tpu.memory_space<hbm>> -> memref<2x128xi32, #tpu.memory_space<hbm>>
          tpu.enqueue_dma source(%dma_start3A_299 : memref<2x128xi32, #tpu.memory_space<hbm>>) target(%arg9 : memref<2x128xi32, #tpu.memory_space<vmem>>) target_semaphore(%arg18 : memref<!tpu.dma_semaphore, #tpu.memory_space<semaphore_mem>>)
        } else {
        }
        %add3A_233 = arith.constant 1 : i32
        %add3A_234 = arith.addi %add3A_220, %add3A_233 : i32
        %lt3A_235 = arith.constant 162 : i32
        %lt3A_236 = arith.cmpi slt, %add3A_234, %lt3A_235 : i32
        %convert_element_type3A_237 = arith.extui %lt3A_236 : i1 to i32
        %cond3A_238 = arith.constant 0 : i32
        %cond3A_239 = arith.cmpi ne, %convert_element_type3A_237, %cond3A_238 : i32
        scf.if %cond3A_239 {
          %add3A_291 = arith.constant 1 : i32
          %add3A_292 = arith.addi %add3A_220, %add3A_291 : i32
          %mul3A_293 = arith.constant 128 : i32
          %mul3A_294 = arith.muli %add3A_292, %mul3A_293 : i32
          %add3A_295 = arith.addi %mul3A_27, %mul3A_294 : i32
          %dma_wait3A_296 = arith.constant 0 : i32
          %dma_wait3A_297 = tpu.memref_slice %arg5[%dma_wait3A_296, %add3A_295] : memref<2x331776xi32, #tpu.memory_space<hbm>> -> memref<2x128xi32, #tpu.memory_space<hbm>>
          %dma_wait3A_298 = arith.constant 0 : i32
          %dma_wait3A_299 = tpu.memref_slice %arg5[%dma_wait3A_298, %add3A_295] : memref<2x331776xi32, #tpu.memory_space<hbm>> -> memref<2x128xi32, #tpu.memory_space<hbm>>
          tpu.wait_dma2 semaphore(%arg23 : memref<!tpu.dma_semaphore, #tpu.memory_space<semaphore_mem>>) src(%dma_wait3A_299 : memref<2x128xi32, #tpu.memory_space<hbm>>) dst(%arg14 : memref<2x128xi32, #tpu.memory_space<vmem>>)
          %dma_start3A_300 = arith.constant 0 : i32
          %dma_start3A_301 = arith.constant 0 : i32
          %dma_start3A_302 = tpu.memref_slice %arg14[%dma_start3A_300, %dma_start3A_301] : memref<2x128xi32, #tpu.memory_space<vmem>> -> memref<1x128xi32, #tpu.memory_space<vmem>>
          %dma_start3A_303 = tpu.memref_squeeze %dma_start3A_302 : memref<1x128xi32, #tpu.memory_space<vmem>> -> memref<128xi32, #tpu.memory_space<vmem>>
          %dma_start3A_304 = arith.constant 0 : i32
          %dma_start3A_305 = arith.constant 0 : i32
          %dma_start3A_306 = tpu.memref_slice %arg3[%dma_start3A_304, %dma_start3A_305] : memref<10000x128xf32, #tpu.memory_space<hbm>> -> memref<10000x128xf32, #tpu.memory_space<hbm>>
          tpu.enqueue_indirect_dma source(%dma_start3A_306 : memref<10000x128xf32, #tpu.memory_space<hbm>>) target(%arg17 : memref<128x128xf32, #tpu.memory_space<vmem>>) offsets(%dma_start3A_303 : memref<128xi32, #tpu.memory_space<vmem>>) semaphore(%arg26 : memref<!tpu.dma_semaphore, #tpu.memory_space<semaphore_mem>>)
        } else {
        }
        %dma_wait3A_240 = arith.constant 0 : i32
        %dma_wait3A_241 = arith.constant 0 : i32
        %dma_wait3A_242 = tpu.memref_slice %arg13[%dma_wait3A_240, %dma_wait3A_241] : memref<2x128xi32, #tpu.memory_space<vmem>> -> memref<1x128xi32, #tpu.memory_space<vmem>>
        %dma_wait3A_243 = tpu.memref_squeeze %dma_wait3A_242 : memref<1x128xi32, #tpu.memory_space<vmem>> -> memref<128xi32, #tpu.memory_space<vmem>>
        %dma_wait3A_244 = arith.constant 0 : i32
        %dma_wait3A_245 = arith.constant 0 : i32
        %dma_wait3A_246 = tpu.memref_slice %arg3[%dma_wait3A_244, %dma_wait3A_245] : memref<10000x128xf32, #tpu.memory_space<hbm>> -> memref<10000x128xf32, #tpu.memory_space<hbm>>
        tpu.wait_indirect_dma semaphore(%arg25 : memref<!tpu.dma_semaphore, #tpu.memory_space<semaphore_mem>>) src(%dma_wait3A_246 : memref<10000x128xf32, #tpu.memory_space<hbm>>) dst(%arg16 : memref<128x128xf32, #tpu.memory_space<vmem>>)
        %dma_start3A_247 = arith.constant 1 : i32
        %dma_start3A_248 = arith.constant 0 : i32
        %dma_start3A_249 = tpu.memref_slice %arg13[%dma_start3A_247, %dma_start3A_248] : memref<2x128xi32, #tpu.memory_space<vmem>> -> memref<1x128xi32, #tpu.memory_space<vmem>>
        %dma_start3A_250 = tpu.memref_squeeze %dma_start3A_249 : memref<1x128xi32, #tpu.memory_space<vmem>> -> memref<128xi32, #tpu.memory_space<vmem>>
        %dma_start3A_251 = arith.constant 0 : i32
        %dma_start3A_252 = arith.constant 0 : i32
        %dma_start3A_253 = tpu.memref_slice %arg30[%dma_start3A_251, %dma_start3A_252] : memref<10008x128xf32, #tpu.memory_space<vmem_shared>> -> memref<10008x128xf32, #tpu.memory_space<vmem_shared>>
        tpu.enqueue_indirect_dma source(%arg16 : memref<128x128xf32, #tpu.memory_space<vmem>>) target(%dma_start3A_253 : memref<10008x128xf32, #tpu.memory_space<vmem_shared>>) offsets(%dma_start3A_250 : memref<128xi32, #tpu.memory_space<vmem>>) semaphore(%arg28 : memref<!tpu.dma_semaphore, #tpu.memory_space<semaphore_mem>>) {add = true}
        %mul3A_254 = arith.constant 6 : i32
        %mul3A_255 = arith.muli %scan3A_69, %mul3A_254 : i32
        %add3A_256 = arith.constant 5 : i32
        %add3A_257 = arith.addi %mul3A_255, %add3A_256 : i32
        %ge3A_258 = arith.constant 2 : i32
        %ge3A_259 = arith.cmpi sge, %add3A_257, %ge3A_258 : i32
        %convert_element_type3A_260 = arith.extui %ge3A_259 : i1 to i32
        %cond3A_261 = arith.constant 0 : i32
        %cond3A_262 = arith.cmpi ne, %convert_element_type3A_260, %cond3A_261 : i32
        scf.if %cond3A_262 {
          %dma_wait3A_291 = arith.constant 1 : i32
          %dma_wait3A_292 = arith.constant 0 : i32
          %dma_wait3A_293 = tpu.memref_slice %arg12[%dma_wait3A_291, %dma_wait3A_292] : memref<2x128xi32, #tpu.memory_space<vmem>> -> memref<1x128xi32, #tpu.memory_space<vmem>>
          %dma_wait3A_294 = tpu.memref_squeeze %dma_wait3A_293 : memref<1x128xi32, #tpu.memory_space<vmem>> -> memref<128xi32, #tpu.memory_space<vmem>>
          %dma_wait3A_295 = arith.constant 0 : i32
          %dma_wait3A_296 = arith.constant 0 : i32
          %dma_wait3A_297 = tpu.memref_slice %arg30[%dma_wait3A_295, %dma_wait3A_296] : memref<10008x128xf32, #tpu.memory_space<vmem_shared>> -> memref<10008x128xf32, #tpu.memory_space<vmem_shared>>
          tpu.wait_indirect_dma semaphore(%arg27 : memref<!tpu.dma_semaphore, #tpu.memory_space<semaphore_mem>>) src(%arg15 : memref<128x128xf32, #tpu.memory_space<vmem>>) dst(%dma_wait3A_297 : memref<10008x128xf32, #tpu.memory_space<vmem_shared>>)
        } else {
        }
        %add3A_263 = arith.constant 2 : i32
        %add3A_264 = arith.addi %add3A_257, %add3A_263 : i32
        %lt3A_265 = arith.constant 162 : i32
        %lt3A_266 = arith.cmpi slt, %add3A_264, %lt3A_265 : i32
        %convert_element_type3A_267 = arith.extui %lt3A_266 : i1 to i32
        %cond3A_268 = arith.constant 0 : i32
        %cond3A_269 = arith.cmpi ne, %convert_element_type3A_267, %cond3A_268 : i32
        scf.if %cond3A_269 {
          %add3A_291 = arith.constant 2 : i32
          %add3A_292 = arith.addi %add3A_257, %add3A_291 : i32
          %mul3A_293 = arith.constant 128 : i32
          %mul3A_294 = arith.muli %add3A_292, %mul3A_293 : i32
          %add3A_295 = arith.addi %mul3A_27, %mul3A_294 : i32
          %dma_start3A_296 = arith.constant 0 : i32
          %dma_start3A_297 = tpu.memref_slice %arg5[%dma_start3A_296, %add3A_295] : memref<2x331776xi32, #tpu.memory_space<hbm>> -> memref<2x128xi32, #tpu.memory_space<hbm>>
          %dma_start3A_298 = arith.constant 0 : i32
          %dma_start3A_299 = tpu.memref_slice %arg5[%dma_start3A_298, %add3A_295] : memref<2x331776xi32, #tpu.memory_space<hbm>> -> memref<2x128xi32, #tpu.memory_space<hbm>>
          tpu.enqueue_dma source(%dma_start3A_299 : memref<2x128xi32, #tpu.memory_space<hbm>>) target(%arg10 : memref<2x128xi32, #tpu.memory_space<vmem>>) target_semaphore(%arg19 : memref<!tpu.dma_semaphore, #tpu.memory_space<semaphore_mem>>)
        } else {
        }
        %add3A_270 = arith.constant 1 : i32
        %add3A_271 = arith.addi %add3A_257, %add3A_270 : i32
        %lt3A_272 = arith.constant 162 : i32
        %lt3A_273 = arith.cmpi slt, %add3A_271, %lt3A_272 : i32
        %convert_element_type3A_274 = arith.extui %lt3A_273 : i1 to i32
        %cond3A_275 = arith.constant 0 : i32
        %cond3A_276 = arith.cmpi ne, %convert_element_type3A_274, %cond3A_275 : i32
        scf.if %cond3A_276 {
          %add3A_291 = arith.constant 1 : i32
          %add3A_292 = arith.addi %add3A_257, %add3A_291 : i32
          %mul3A_293 = arith.constant 128 : i32
          %mul3A_294 = arith.muli %add3A_292, %mul3A_293 : i32
          %add3A_295 = arith.addi %mul3A_27, %mul3A_294 : i32
          %dma_wait3A_296 = arith.constant 0 : i32
          %dma_wait3A_297 = tpu.memref_slice %arg5[%dma_wait3A_296, %add3A_295] : memref<2x331776xi32, #tpu.memory_space<hbm>> -> memref<2x128xi32, #tpu.memory_space<hbm>>
          %dma_wait3A_298 = arith.constant 0 : i32
          %dma_wait3A_299 = tpu.memref_slice %arg5[%dma_wait3A_298, %add3A_295] : memref<2x331776xi32, #tpu.memory_space<hbm>> -> memref<2x128xi32, #tpu.memory_space<hbm>>
          tpu.wait_dma2 semaphore(%arg18 : memref<!tpu.dma_semaphore, #tpu.memory_space<semaphore_mem>>) src(%dma_wait3A_299 : memref<2x128xi32, #tpu.memory_space<hbm>>) dst(%arg9 : memref<2x128xi32, #tpu.memory_space<vmem>>)
          %dma_start3A_300 = arith.constant 0 : i32
          %dma_start3A_301 = arith.constant 0 : i32
          %dma_start3A_302 = tpu.memref_slice %arg9[%dma_start3A_300, %dma_start3A_301] : memref<2x128xi32, #tpu.memory_space<vmem>> -> memref<1x128xi32, #tpu.memory_space<vmem>>
          %dma_start3A_303 = tpu.memref_squeeze %dma_start3A_302 : memref<1x128xi32, #tpu.memory_space<vmem>> -> memref<128xi32, #tpu.memory_space<vmem>>
          %dma_start3A_304 = arith.constant 0 : i32
          %dma_start3A_305 = arith.constant 0 : i32
          %dma_start3A_306 = tpu.memref_slice %arg3[%dma_start3A_304, %dma_start3A_305] : memref<10000x128xf32, #tpu.memory_space<hbm>> -> memref<10000x128xf32, #tpu.memory_space<hbm>>
          tpu.enqueue_indirect_dma source(%dma_start3A_306 : memref<10000x128xf32, #tpu.memory_space<hbm>>) target(%arg15 : memref<128x128xf32, #tpu.memory_space<vmem>>) offsets(%dma_start3A_303 : memref<128xi32, #tpu.memory_space<vmem>>) semaphore(%arg24 : memref<!tpu.dma_semaphore, #tpu.memory_space<semaphore_mem>>)
        } else {
        }
        %dma_wait3A_277 = arith.constant 0 : i32
        %dma_wait3A_278 = arith.constant 0 : i32
        %dma_wait3A_279 = tpu.memref_slice %arg14[%dma_wait3A_277, %dma_wait3A_278] : memref<2x128xi32, #tpu.memory_space<vmem>> -> memref<1x128xi32, #tpu.memory_space<vmem>>
        %dma_wait3A_280 = tpu.memref_squeeze %dma_wait3A_279 : memref<1x128xi32, #tpu.memory_space<vmem>> -> memref<128xi32, #tpu.memory_space<vmem>>
        %dma_wait3A_281 = arith.constant 0 : i32
        %dma_wait3A_282 = arith.constant 0 : i32
        %dma_wait3A_283 = tpu.memref_slice %arg3[%dma_wait3A_281, %dma_wait3A_282] : memref<10000x128xf32, #tpu.memory_space<hbm>> -> memref<10000x128xf32, #tpu.memory_space<hbm>>
        tpu.wait_indirect_dma semaphore(%arg26 : memref<!tpu.dma_semaphore, #tpu.memory_space<semaphore_mem>>) src(%dma_wait3A_283 : memref<10000x128xf32, #tpu.memory_space<hbm>>) dst(%arg17 : memref<128x128xf32, #tpu.memory_space<vmem>>)
        %dma_start3A_284 = arith.constant 1 : i32
        %dma_start3A_285 = arith.constant 0 : i32
        %dma_start3A_286 = tpu.memref_slice %arg14[%dma_start3A_284, %dma_start3A_285] : memref<2x128xi32, #tpu.memory_space<vmem>> -> memref<1x128xi32, #tpu.memory_space<vmem>>
        %dma_start3A_287 = tpu.memref_squeeze %dma_start3A_286 : memref<1x128xi32, #tpu.memory_space<vmem>> -> memref<128xi32, #tpu.memory_space<vmem>>
        %dma_start3A_288 = arith.constant 0 : i32
        %dma_start3A_289 = arith.constant 0 : i32
        %dma_start3A_290 = tpu.memref_slice %arg30[%dma_start3A_288, %dma_start3A_289] : memref<10008x128xf32, #tpu.memory_space<vmem_shared>> -> memref<10008x128xf32, #tpu.memory_space<vmem_shared>>
        tpu.enqueue_indirect_dma source(%arg17 : memref<128x128xf32, #tpu.memory_space<vmem>>) target(%dma_start3A_290 : memref<10008x128xf32, #tpu.memory_space<vmem_shared>>) offsets(%dma_start3A_287 : memref<128xi32, #tpu.memory_space<vmem>>) semaphore(%arg29 : memref<!tpu.dma_semaphore, #tpu.memory_space<semaphore_mem>>) {add = true}
      }
      %scan3A_54 = arith.constant 27 : i32
      %dma_wait3A_55 = arith.constant 1 : i32
      %dma_wait3A_56 = arith.constant 0 : i32
      %dma_wait3A_57 = tpu.memref_slice %arg13[%dma_wait3A_55, %dma_wait3A_56] : memref<2x128xi32, #tpu.memory_space<vmem>> -> memref<1x128xi32, #tpu.memory_space<vmem>>
      %dma_wait3A_58 = tpu.memref_squeeze %dma_wait3A_57 : memref<1x128xi32, #tpu.memory_space<vmem>> -> memref<128xi32, #tpu.memory_space<vmem>>
      %dma_wait3A_59 = arith.constant 0 : i32
      %dma_wait3A_60 = arith.constant 0 : i32
      %dma_wait3A_61 = tpu.memref_slice %arg30[%dma_wait3A_59, %dma_wait3A_60] : memref<10008x128xf32, #tpu.memory_space<vmem_shared>> -> memref<10008x128xf32, #tpu.memory_space<vmem_shared>>
      tpu.wait_indirect_dma semaphore(%arg28 : memref<!tpu.dma_semaphore, #tpu.memory_space<semaphore_mem>>) src(%arg16 : memref<128x128xf32, #tpu.memory_space<vmem>>) dst(%dma_wait3A_61 : memref<10008x128xf32, #tpu.memory_space<vmem_shared>>)
      %dma_wait3A_62 = arith.constant 1 : i32
      %dma_wait3A_63 = arith.constant 0 : i32
      %dma_wait3A_64 = tpu.memref_slice %arg14[%dma_wait3A_62, %dma_wait3A_63] : memref<2x128xi32, #tpu.memory_space<vmem>> -> memref<1x128xi32, #tpu.memory_space<vmem>>
      %dma_wait3A_65 = tpu.memref_squeeze %dma_wait3A_64 : memref<1x128xi32, #tpu.memory_space<vmem>> -> memref<128xi32, #tpu.memory_space<vmem>>
      %dma_wait3A_66 = arith.constant 0 : i32
      %dma_wait3A_67 = arith.constant 0 : i32
      %dma_wait3A_68 = tpu.memref_slice %arg30[%dma_wait3A_66, %dma_wait3A_67] : memref<10008x128xf32, #tpu.memory_space<vmem_shared>> -> memref<10008x128xf32, #tpu.memory_space<vmem_shared>>
      tpu.wait_indirect_dma semaphore(%arg29 : memref<!tpu.dma_semaphore, #tpu.memory_space<semaphore_mem>>) src(%arg17 : memref<128x128xf32, #tpu.memory_space<vmem>>) dst(%dma_wait3A_68 : memref<10008x128xf32, #tpu.memory_space<vmem_shared>>)
    } else {
    }
    %barrier3A_16 = arith.constant 0 : index
    tpu.barrier barrier_id(%barrier3A_16)
    %eq3A_17 = arith.constant 0 : i32
    %eq3A_18 = arith.cmpi eq, %arg0, %eq3A_17 : i32
    %convert_element_type3A_19 = arith.extui %eq3A_18 : i1 to i32
    %cond3A_20 = arith.constant 0 : i32
    %cond3A_21 = arith.cmpi ne, %convert_element_type3A_19, %cond3A_20 : i32
    scf.if %cond3A_21 {
      %mul3A = arith.constant 624 : i32
      %mul3A_27 = arith.muli %arg1, %mul3A : i32
      %mul3A_28 = arith.constant 624 : i32
      %mul3A_29 = arith.muli %arg1, %mul3A_28 : i32
      "tpu.region"() ({
        %run_scoped3A = tpu.sem_alloc : memref<!tpu.dma_semaphore, #tpu.memory_space<semaphore_mem>>
        %dma_start3A = arith.constant 0 : i32
        %dma_start3A_35 = tpu.memref_slice %arg8[%mul3A_29, %dma_start3A] : memref<10000x128xf32, #tpu.memory_space<hbm>> -> memref<624x128xf32, #tpu.memory_space<hbm>>
        %dma_start3A_36 = arith.constant 0 : i32
        %dma_start3A_37 = tpu.memref_slice %arg30[%mul3A_27, %dma_start3A_36] : memref<10008x128xf32, #tpu.memory_space<vmem_shared>> -> memref<624x128xf32, #tpu.memory_space<vmem_shared>>
        tpu.enqueue_dma source(%dma_start3A_37 : memref<624x128xf32, #tpu.memory_space<vmem_shared>>) target(%dma_start3A_35 : memref<624x128xf32, #tpu.memory_space<hbm>>) target_semaphore(%run_scoped3A : memref<!tpu.dma_semaphore, #tpu.memory_space<semaphore_mem>>)
        %dma_wait3A = arith.constant 0 : i32
        %dma_wait3A_38 = tpu.memref_slice %arg8[%mul3A_29, %dma_wait3A] : memref<10000x128xf32, #tpu.memory_space<hbm>> -> memref<624x128xf32, #tpu.memory_space<hbm>>
        %dma_wait3A_39 = arith.constant 0 : i32
        %dma_wait3A_40 = tpu.memref_slice %arg30[%mul3A_27, %dma_wait3A_39] : memref<10008x128xf32, #tpu.memory_space<vmem_shared>> -> memref<624x128xf32, #tpu.memory_space<vmem_shared>>
        tpu.wait_dma2 semaphore(%run_scoped3A : memref<!tpu.dma_semaphore, #tpu.memory_space<semaphore_mem>>) src(%dma_wait3A_40 : memref<624x128xf32, #tpu.memory_space<vmem_shared>>) dst(%dma_wait3A_38 : memref<624x128xf32, #tpu.memory_space<hbm>>)
        tpu.yield
      }) : () -> ()
      %eq3A_30 = arith.constant 0 : i32
      %eq3A_31 = arith.cmpi eq, %arg1, %eq3A_30 : i32
      %convert_element_type3A_32 = arith.extui %eq3A_31 : i1 to i32
      %cond3A_33 = arith.constant 0 : i32
      %cond3A_34 = arith.cmpi ne, %convert_element_type3A_32, %cond3A_33 : i32
      scf.if %cond3A_34 {
        "tpu.region"() ({
          %run_scoped3A = tpu.sem_alloc : memref<!tpu.dma_semaphore, #tpu.memory_space<semaphore_mem>>
          %dma_start3A = arith.constant 9984 : i32
          %dma_start3A_35 = arith.constant 0 : i32
          %dma_start3A_36 = tpu.memref_slice %arg8[%dma_start3A, %dma_start3A_35] : memref<10000x128xf32, #tpu.memory_space<hbm>> -> memref<16x128xf32, #tpu.memory_space<hbm>>
          %dma_start3A_37 = arith.constant 9984 : i32
          %dma_start3A_38 = arith.constant 0 : i32
          %dma_start3A_39 = tpu.memref_slice %arg30[%dma_start3A_37, %dma_start3A_38] : memref<10008x128xf32, #tpu.memory_space<vmem_shared>> -> memref<16x128xf32, #tpu.memory_space<vmem_shared>>
          tpu.enqueue_dma source(%dma_start3A_39 : memref<16x128xf32, #tpu.memory_space<vmem_shared>>) target(%dma_start3A_36 : memref<16x128xf32, #tpu.memory_space<hbm>>) target_semaphore(%run_scoped3A : memref<!tpu.dma_semaphore, #tpu.memory_space<semaphore_mem>>)
          %dma_wait3A = arith.constant 9984 : i32
          %dma_wait3A_40 = arith.constant 0 : i32
          %dma_wait3A_41 = tpu.memref_slice %arg8[%dma_wait3A, %dma_wait3A_40] : memref<10000x128xf32, #tpu.memory_space<hbm>> -> memref<16x128xf32, #tpu.memory_space<hbm>>
          %dma_wait3A_42 = arith.constant 9984 : i32
          %dma_wait3A_43 = arith.constant 0 : i32
          %dma_wait3A_44 = tpu.memref_slice %arg30[%dma_wait3A_42, %dma_wait3A_43] : memref<10008x128xf32, #tpu.memory_space<vmem_shared>> -> memref<16x128xf32, #tpu.memory_space<vmem_shared>>
          tpu.wait_dma2 semaphore(%run_scoped3A : memref<!tpu.dma_semaphore, #tpu.memory_space<semaphore_mem>>) src(%dma_wait3A_44 : memref<16x128xf32, #tpu.memory_space<vmem_shared>>) dst(%dma_wait3A_41 : memref<16x128xf32, #tpu.memory_space<hbm>>)
          tpu.yield
        }) : () -> ()
      } else {
      }
    } else {
    }
    %eq3A_22 = arith.constant 1 : i32
    %eq3A_23 = arith.cmpi eq, %arg0, %eq3A_22 : i32
    %convert_element_type3A_24 = arith.extui %eq3A_23 : i1 to i32
    %cond3A_25 = arith.constant 0 : i32
    %cond3A_26 = arith.cmpi ne, %convert_element_type3A_24, %cond3A_25 : i32
    scf.if %cond3A_26 {
      %mul3A = arith.constant 624 : i32
      %mul3A_27 = arith.muli %arg1, %mul3A : i32
      %mul3A_28 = arith.constant 624 : i32
      %mul3A_29 = arith.muli %arg1, %mul3A_28 : i32
      "tpu.region"() ({
        %run_scoped3A = tpu.sem_alloc : memref<!tpu.dma_semaphore, #tpu.memory_space<semaphore_mem>>
        %dma_start3A = arith.constant 0 : i32
        %dma_start3A_35 = tpu.memref_slice %arg7[%mul3A_29, %dma_start3A] : memref<10000x128xf32, #tpu.memory_space<hbm>> -> memref<624x128xf32, #tpu.memory_space<hbm>>
        %dma_start3A_36 = arith.constant 0 : i32
        %dma_start3A_37 = tpu.memref_slice %arg30[%mul3A_27, %dma_start3A_36] : memref<10008x128xf32, #tpu.memory_space<vmem_shared>> -> memref<624x128xf32, #tpu.memory_space<vmem_shared>>
        tpu.enqueue_dma source(%dma_start3A_37 : memref<624x128xf32, #tpu.memory_space<vmem_shared>>) target(%dma_start3A_35 : memref<624x128xf32, #tpu.memory_space<hbm>>) target_semaphore(%run_scoped3A : memref<!tpu.dma_semaphore, #tpu.memory_space<semaphore_mem>>)
        %dma_wait3A = arith.constant 0 : i32
        %dma_wait3A_38 = tpu.memref_slice %arg7[%mul3A_29, %dma_wait3A] : memref<10000x128xf32, #tpu.memory_space<hbm>> -> memref<624x128xf32, #tpu.memory_space<hbm>>
        %dma_wait3A_39 = arith.constant 0 : i32
        %dma_wait3A_40 = tpu.memref_slice %arg30[%mul3A_27, %dma_wait3A_39] : memref<10008x128xf32, #tpu.memory_space<vmem_shared>> -> memref<624x128xf32, #tpu.memory_space<vmem_shared>>
        tpu.wait_dma2 semaphore(%run_scoped3A : memref<!tpu.dma_semaphore, #tpu.memory_space<semaphore_mem>>) src(%dma_wait3A_40 : memref<624x128xf32, #tpu.memory_space<vmem_shared>>) dst(%dma_wait3A_38 : memref<624x128xf32, #tpu.memory_space<hbm>>)
        tpu.yield
      }) : () -> ()
      %eq3A_30 = arith.constant 0 : i32
      %eq3A_31 = arith.cmpi eq, %arg1, %eq3A_30 : i32
      %convert_element_type3A_32 = arith.extui %eq3A_31 : i1 to i32
      %cond3A_33 = arith.constant 0 : i32
      %cond3A_34 = arith.cmpi ne, %convert_element_type3A_32, %cond3A_33 : i32
      scf.if %cond3A_34 {
        "tpu.region"() ({
          %run_scoped3A = tpu.sem_alloc : memref<!tpu.dma_semaphore, #tpu.memory_space<semaphore_mem>>
          %dma_start3A = arith.constant 9984 : i32
          %dma_start3A_35 = arith.constant 0 : i32
          %dma_start3A_36 = tpu.memref_slice %arg7[%dma_start3A, %dma_start3A_35] : memref<10000x128xf32, #tpu.memory_space<hbm>> -> memref<16x128xf32, #tpu.memory_space<hbm>>
          %dma_start3A_37 = arith.constant 9984 : i32
          %dma_start3A_38 = arith.constant 0 : i32
          %dma_start3A_39 = tpu.memref_slice %arg30[%dma_start3A_37, %dma_start3A_38] : memref<10008x128xf32, #tpu.memory_space<vmem_shared>> -> memref<16x128xf32, #tpu.memory_space<vmem_shared>>
          tpu.enqueue_dma source(%dma_start3A_39 : memref<16x128xf32, #tpu.memory_space<vmem_shared>>) target(%dma_start3A_36 : memref<16x128xf32, #tpu.memory_space<hbm>>) target_semaphore(%run_scoped3A : memref<!tpu.dma_semaphore, #tpu.memory_space<semaphore_mem>>)
          %dma_wait3A = arith.constant 9984 : i32
          %dma_wait3A_40 = arith.constant 0 : i32
          %dma_wait3A_41 = tpu.memref_slice %arg7[%dma_wait3A, %dma_wait3A_40] : memref<10000x128xf32, #tpu.memory_space<hbm>> -> memref<16x128xf32, #tpu.memory_space<hbm>>
          %dma_wait3A_42 = arith.constant 9984 : i32
          %dma_wait3A_43 = arith.constant 0 : i32
          %dma_wait3A_44 = tpu.memref_slice %arg30[%dma_wait3A_42, %dma_wait3A_43] : memref<10008x128xf32, #tpu.memory_space<vmem_shared>> -> memref<16x128xf32, #tpu.memory_space<vmem_shared>>
          tpu.wait_dma2 semaphore(%run_scoped3A : memref<!tpu.dma_semaphore, #tpu.memory_space<semaphore_mem>>) src(%dma_wait3A_44 : memref<16x128xf32, #tpu.memory_space<vmem_shared>>) dst(%dma_wait3A_41 : memref<16x128xf32, #tpu.memory_space<hbm>>)
          tpu.yield
        }) : () -> ()
      } else {
      }
    } else {
    }
    return
  }
}

module attributes {stable_mosaic.version = 14 : i64} {
  func.func @body(%arg0: i32, %arg1: memref<1000x128xf32, #tpu.memory_space<vmem>>, %arg2: memref<1000x128xf32, #tpu.memory_space<vmem>>, %arg3: memref<1000x128xf32, #tpu.memory_space<vmem>>, %arg4: memref<1000x128xf32, #tpu.memory_space<vmem>>, %arg5: memref<128x128xf32, #tpu.memory_space<vmem>>, %arg6: memref<128x128xf32, #tpu.memory_space<vmem>>, %arg7: memref<128x128xf32, #tpu.memory_space<vmem>>, %arg8: memref<128x128xf32, #tpu.memory_space<vmem>>, %arg9: memref<8x128xf32, #tpu.memory_space<vmem>>, %arg10: memref<1000x128xf32, #tpu.memory_space<vmem>>, %arg11: memref<1000x128xf32, #tpu.memory_space<vmem>>) attributes {dimension_semantics = [#tpu.dimension_semantics<arbitrary>], iteration_bounds = array<i64: 10>, scalar_prefetch = 0 : i64, scratch_operands = 0 : i64, tpu.core_type = #tpu.core_type<tc>, window_params = [{transform_indices = @transform_0, window_bounds = array<i64: 1000, 128>}, {transform_indices = @transform_1, window_bounds = array<i64: 1000, 128>}, {transform_indices = @transform_2, window_bounds = array<i64: 1000, 128>}, {transform_indices = @transform_3, window_bounds = array<i64: 1000, 128>}, {pipeline_mode = #tpu.pipeline_mode<synchronous>, transform_indices = @transform_4, window_bounds = array<i64: 128, 128>}, {pipeline_mode = #tpu.pipeline_mode<synchronous>, transform_indices = @transform_5, window_bounds = array<i64: 128, 128>}, {pipeline_mode = #tpu.pipeline_mode<synchronous>, transform_indices = @transform_6, window_bounds = array<i64: 128, 128>}, {pipeline_mode = #tpu.pipeline_mode<synchronous>, transform_indices = @transform_7, window_bounds = array<i64: 128, 128>}, {pipeline_mode = #tpu.pipeline_mode<synchronous>, transform_indices = @transform_8, window_bounds = array<i64: 8, 128>}, {transform_indices = @transform_9, window_bounds = array<i64: 1000, 128>}, {transform_indices = @transform_10, window_bounds = array<i64: 1000, 128>}]} {
    %get3A = arith.constant 0 : index
    %get3A_0 = arith.constant 0 : index
    %get3A_1 = vector.load %arg9[%get3A, %get3A_0] : memref<8x128xf32, #tpu.memory_space<vmem>>, vector<8x128xf32>
    %slice3A = vector.extract_strided_slice %get3A_1 {offsets = [0, 0], sizes = [1, 128], strides = [1, 1]} : vector<8x128xf32> to vector<1x128xf32>
    %slice3A_2 = vector.extract_strided_slice %get3A_1 {offsets = [1, 0], sizes = [1, 128], strides = [1, 1]} : vector<8x128xf32> to vector<1x128xf32>
    %slice3A_3 = vector.extract_strided_slice %get3A_1 {offsets = [2, 0], sizes = [1, 128], strides = [1, 1]} : vector<8x128xf32> to vector<1x128xf32>
    %get3A_4 = arith.constant 0 : index
    %get3A_5 = arith.constant 0 : index
    %get3A_6 = vector.load %arg2[%get3A_4, %get3A_5] : memref<1000x128xf32, #tpu.memory_space<vmem>>, vector<1000x128xf32>
    %get3A_7 = arith.constant 0 : index
    %get3A_8 = arith.constant 0 : index
    %get3A_9 = vector.load %arg5[%get3A_7, %get3A_8] : memref<128x128xf32, #tpu.memory_space<vmem>>, vector<128x128xf32>
    %dot_general3A = arith.constant dense<0.000000e+00> : vector<1000x128xf32>
    %dot_general3A_10 = tpu.matmul %get3A_6, %get3A_9, %dot_general3A {dimension_numbers = #tpu.dot_dimension_numbers<[1], [0], [0], [1], [0, 0, 1, 1], [], []>, transpose_lhs_hint = false} : vector<1000x128xf32>, vector<128x128xf32>, vector<1000x128xf32> -> vector<1000x128xf32>
    %get3A_11 = arith.constant 0 : index
    %get3A_12 = arith.constant 0 : index
    %get3A_13 = vector.load %arg4[%get3A_11, %get3A_12] : memref<1000x128xf32, #tpu.memory_space<vmem>>, vector<1000x128xf32>
    %get3A_14 = arith.constant 0 : index
    %get3A_15 = arith.constant 0 : index
    %get3A_16 = vector.load %arg6[%get3A_14, %get3A_15] : memref<128x128xf32, #tpu.memory_space<vmem>>, vector<128x128xf32>
    %dot_general3A_17 = arith.constant dense<0.000000e+00> : vector<1000x128xf32>
    %dot_general3A_18 = tpu.matmul %get3A_13, %get3A_16, %dot_general3A_17 {dimension_numbers = #tpu.dot_dimension_numbers<[1], [0], [0], [1], [0, 0, 1, 1], [], []>, transpose_lhs_hint = false} : vector<1000x128xf32>, vector<128x128xf32>, vector<1000x128xf32> -> vector<1000x128xf32>
    %add3A = arith.addf %dot_general3A_10, %dot_general3A_18 : vector<1000x128xf32>
    %add3A_19 = vector.broadcast %slice3A : vector<1x128xf32> to vector<1000x128xf32>
    %add3A_20 = arith.addf %add3A, %add3A_19 : vector<1000x128xf32>
    %reduce_sum3A = arith.constant dense<0.000000e+00> : vector<1000xf32>
    %reduce_sum3A_21 = vector.multi_reduction <add>, %add3A_20, %reduce_sum3A [1] : vector<1000x128xf32> to vector<1000xf32>
    %broadcast_in_dim3A = vector.shape_cast %reduce_sum3A_21 : vector<1000xf32> to vector<1000x1xf32>
    %div3A = arith.constant 1.280000e+02 : f32
    %div3A_22 = vector.broadcast %div3A : f32 to vector<1000x1xf32>
    %div3A_23 = arith.divf %broadcast_in_dim3A, %div3A_22 : vector<1000x1xf32>
    %sub3A = vector.broadcast %div3A_23 : vector<1000x1xf32> to vector<1000x128xf32>
    %sub3A_24 = arith.subf %add3A_20, %sub3A : vector<1000x128xf32>
    %square3A = arith.mulf %sub3A_24, %sub3A_24 : vector<1000x128xf32>
    %reduce_sum3A_25 = arith.constant dense<0.000000e+00> : vector<1000xf32>
    %reduce_sum3A_26 = vector.multi_reduction <add>, %square3A, %reduce_sum3A_25 [1] : vector<1000x128xf32> to vector<1000xf32>
    %broadcast_in_dim3A_27 = vector.shape_cast %reduce_sum3A_26 : vector<1000xf32> to vector<1000x1xf32>
    %div3A_28 = arith.constant 1.280000e+02 : f32
    %div3A_29 = vector.broadcast %div3A_28 : f32 to vector<1000x1xf32>
    %div3A_30 = arith.divf %broadcast_in_dim3A_27, %div3A_29 : vector<1000x1xf32>
    %sub3A_31 = vector.broadcast %div3A_23 : vector<1000x1xf32> to vector<1000x128xf32>
    %sub3A_32 = arith.subf %add3A_20, %sub3A_31 : vector<1000x128xf32>
    %add3A_33 = arith.constant 9.99999974E-6 : f32
    %add3A_34 = vector.broadcast %add3A_33 : f32 to vector<1000x1xf32>
    %add3A_35 = arith.addf %div3A_30, %add3A_34 : vector<1000x1xf32>
    %rsqrt3A = math.rsqrt %add3A_35 : vector<1000x1xf32>
    %mul3A = vector.broadcast %rsqrt3A : vector<1000x1xf32> to vector<1000x128xf32>
    %mul3A_36 = arith.mulf %sub3A_32, %mul3A : vector<1000x128xf32>
    %mul3A_37 = vector.broadcast %slice3A_2 : vector<1x128xf32> to vector<1000x128xf32>
    %mul3A_38 = arith.mulf %mul3A_36, %mul3A_37 : vector<1000x128xf32>
    %add3A_39 = vector.broadcast %slice3A_3 : vector<1x128xf32> to vector<1000x128xf32>
    %add3A_40 = arith.addf %mul3A_38, %add3A_39 : vector<1000x128xf32>
    %max3A = arith.constant 0.000000e+00 : f32
    %max3A_41 = vector.broadcast %max3A : f32 to vector<1000x128xf32>
    %max3A_42 = arith.maximumf %add3A_40, %max3A_41 : vector<1000x128xf32>
    %get3A_43 = arith.constant 0 : index
    %get3A_44 = arith.constant 0 : index
    %get3A_45 = vector.load %arg4[%get3A_43, %get3A_44] : memref<1000x128xf32, #tpu.memory_space<vmem>>, vector<1000x128xf32>
    %add3A_46 = arith.addf %max3A_42, %get3A_45 : vector<1000x128xf32>
    %swap3A = arith.constant 0 : index
    %swap3A_47 = arith.constant 0 : index
    %swap3A_48 = vector.load %arg11[%swap3A, %swap3A_47] : memref<1000x128xf32, #tpu.memory_space<vmem>>, vector<1000x128xf32>
    tpu.vector_store %arg11[%swap3A, %swap3A_47], %add3A_46 {strides = array<i32>} : memref<1000x128xf32, #tpu.memory_space<vmem>>, vector<1000x128xf32>,
    %slice3A_49 = vector.extract_strided_slice %get3A_1 {offsets = [3, 0], sizes = [1, 128], strides = [1, 1]} : vector<8x128xf32> to vector<1x128xf32>
    %slice3A_50 = vector.extract_strided_slice %get3A_1 {offsets = [4, 0], sizes = [1, 128], strides = [1, 1]} : vector<8x128xf32> to vector<1x128xf32>
    %slice3A_51 = vector.extract_strided_slice %get3A_1 {offsets = [5, 0], sizes = [1, 128], strides = [1, 1]} : vector<8x128xf32> to vector<1x128xf32>
    %get3A_52 = arith.constant 0 : index
    %get3A_53 = arith.constant 0 : index
    %get3A_54 = vector.load %arg1[%get3A_52, %get3A_53] : memref<1000x128xf32, #tpu.memory_space<vmem>>, vector<1000x128xf32>
    %get3A_55 = arith.constant 0 : index
    %get3A_56 = arith.constant 0 : index
    %get3A_57 = vector.load %arg7[%get3A_55, %get3A_56] : memref<128x128xf32, #tpu.memory_space<vmem>>, vector<128x128xf32>
    %dot_general3A_58 = arith.constant dense<0.000000e+00> : vector<1000x128xf32>
    %dot_general3A_59 = tpu.matmul %get3A_54, %get3A_57, %dot_general3A_58 {dimension_numbers = #tpu.dot_dimension_numbers<[1], [0], [0], [1], [0, 0, 1, 1], [], []>, transpose_lhs_hint = false} : vector<1000x128xf32>, vector<128x128xf32>, vector<1000x128xf32> -> vector<1000x128xf32>
    %get3A_60 = arith.constant 0 : index
    %get3A_61 = arith.constant 0 : index
    %get3A_62 = vector.load %arg3[%get3A_60, %get3A_61] : memref<1000x128xf32, #tpu.memory_space<vmem>>, vector<1000x128xf32>
    %get3A_63 = arith.constant 0 : index
    %get3A_64 = arith.constant 0 : index
    %get3A_65 = vector.load %arg8[%get3A_63, %get3A_64] : memref<128x128xf32, #tpu.memory_space<vmem>>, vector<128x128xf32>
    %dot_general3A_66 = arith.constant dense<0.000000e+00> : vector<1000x128xf32>
    %dot_general3A_67 = tpu.matmul %get3A_62, %get3A_65, %dot_general3A_66 {dimension_numbers = #tpu.dot_dimension_numbers<[1], [0], [0], [1], [0, 0, 1, 1], [], []>, transpose_lhs_hint = false} : vector<1000x128xf32>, vector<128x128xf32>, vector<1000x128xf32> -> vector<1000x128xf32>
    %add3A_68 = arith.addf %dot_general3A_59, %dot_general3A_67 : vector<1000x128xf32>
    %add3A_69 = vector.broadcast %slice3A_49 : vector<1x128xf32> to vector<1000x128xf32>
    %add3A_70 = arith.addf %add3A_68, %add3A_69 : vector<1000x128xf32>
    %reduce_sum3A_71 = arith.constant dense<0.000000e+00> : vector<1000xf32>
    %reduce_sum3A_72 = vector.multi_reduction <add>, %add3A_70, %reduce_sum3A_71 [1] : vector<1000x128xf32> to vector<1000xf32>
    %broadcast_in_dim3A_73 = vector.shape_cast %reduce_sum3A_72 : vector<1000xf32> to vector<1000x1xf32>
    %div3A_74 = arith.constant 1.280000e+02 : f32
    %div3A_75 = vector.broadcast %div3A_74 : f32 to vector<1000x1xf32>
    %div3A_76 = arith.divf %broadcast_in_dim3A_73, %div3A_75 : vector<1000x1xf32>
    %sub3A_77 = vector.broadcast %div3A_76 : vector<1000x1xf32> to vector<1000x128xf32>
    %sub3A_78 = arith.subf %add3A_70, %sub3A_77 : vector<1000x128xf32>
    %square3A_79 = arith.mulf %sub3A_78, %sub3A_78 : vector<1000x128xf32>
    %reduce_sum3A_80 = arith.constant dense<0.000000e+00> : vector<1000xf32>
    %reduce_sum3A_81 = vector.multi_reduction <add>, %square3A_79, %reduce_sum3A_80 [1] : vector<1000x128xf32> to vector<1000xf32>
    %broadcast_in_dim3A_82 = vector.shape_cast %reduce_sum3A_81 : vector<1000xf32> to vector<1000x1xf32>
    %div3A_83 = arith.constant 1.280000e+02 : f32
    %div3A_84 = vector.broadcast %div3A_83 : f32 to vector<1000x1xf32>
    %div3A_85 = arith.divf %broadcast_in_dim3A_82, %div3A_84 : vector<1000x1xf32>
    %sub3A_86 = vector.broadcast %div3A_76 : vector<1000x1xf32> to vector<1000x128xf32>
    %sub3A_87 = arith.subf %add3A_70, %sub3A_86 : vector<1000x128xf32>
    %add3A_88 = arith.constant 9.99999974E-6 : f32
    %add3A_89 = vector.broadcast %add3A_88 : f32 to vector<1000x1xf32>
    %add3A_90 = arith.addf %div3A_85, %add3A_89 : vector<1000x1xf32>
    %rsqrt3A_91 = math.rsqrt %add3A_90 : vector<1000x1xf32>
    %mul3A_92 = vector.broadcast %rsqrt3A_91 : vector<1000x1xf32> to vector<1000x128xf32>
    %mul3A_93 = arith.mulf %sub3A_87, %mul3A_92 : vector<1000x128xf32>
    %mul3A_94 = vector.broadcast %slice3A_50 : vector<1x128xf32> to vector<1000x128xf32>
    %mul3A_95 = arith.mulf %mul3A_93, %mul3A_94 : vector<1000x128xf32>
    %add3A_96 = vector.broadcast %slice3A_51 : vector<1x128xf32> to vector<1000x128xf32>
    %add3A_97 = arith.addf %mul3A_95, %add3A_96 : vector<1000x128xf32>
    %max3A_98 = arith.constant 0.000000e+00 : f32
    %max3A_99 = vector.broadcast %max3A_98 : f32 to vector<1000x128xf32>
    %max3A_100 = arith.maximumf %add3A_97, %max3A_99 : vector<1000x128xf32>
    %get3A_101 = arith.constant 0 : index
    %get3A_102 = arith.constant 0 : index
    %get3A_103 = vector.load %arg3[%get3A_101, %get3A_102] : memref<1000x128xf32, #tpu.memory_space<vmem>>, vector<1000x128xf32>
    %add3A_104 = arith.addf %max3A_100, %get3A_103 : vector<1000x128xf32>
    %swap3A_105 = arith.constant 0 : index
    %swap3A_106 = arith.constant 0 : index
    %swap3A_107 = vector.load %arg10[%swap3A_105, %swap3A_106] : memref<1000x128xf32, #tpu.memory_space<vmem>>, vector<1000x128xf32>
    tpu.vector_store %arg10[%swap3A_105, %swap3A_106], %add3A_104 {strides = array<i32>} : memref<1000x128xf32, #tpu.memory_space<vmem>>, vector<1000x128xf32>,
    return
  }
  func.func @transform_0(%arg0: i32) -> (i32, i32) {
    %c0_i32 = arith.constant 0 : i32
    %c0_i32_0 = arith.constant 0 : i32
    return %arg0, %c0_i32 : i32, i32
  }
  func.func @transform_1(%arg0: i32) -> (i32, i32) {
    %c0_i32 = arith.constant 0 : i32
    %c0_i32_0 = arith.constant 0 : i32
    return %arg0, %c0_i32 : i32, i32
  }
  func.func @transform_2(%arg0: i32) -> (i32, i32) {
    %c0_i32 = arith.constant 0 : i32
    %c0_i32_0 = arith.constant 0 : i32
    return %arg0, %c0_i32 : i32, i32
  }
  func.func @transform_3(%arg0: i32) -> (i32, i32) {
    %c0_i32 = arith.constant 0 : i32
    %c0_i32_0 = arith.constant 0 : i32
    return %arg0, %c0_i32 : i32, i32
  }
  func.func @transform_4(%arg0: i32) -> (i32, i32) {
    %c0_i32 = arith.constant 0 : i32
    %c0_i32_0 = arith.constant 0 : i32
    %c0_i32_1 = arith.constant 0 : i32
    return %c0_i32, %c0_i32_0 : i32, i32
  }
  func.func @transform_5(%arg0: i32) -> (i32, i32) {
    %c0_i32 = arith.constant 0 : i32
    %c0_i32_0 = arith.constant 0 : i32
    %c0_i32_1 = arith.constant 0 : i32
    return %c0_i32, %c0_i32_0 : i32, i32
  }
  func.func @transform_6(%arg0: i32) -> (i32, i32) {
    %c0_i32 = arith.constant 0 : i32
    %c0_i32_0 = arith.constant 0 : i32
    %c0_i32_1 = arith.constant 0 : i32
    return %c0_i32, %c0_i32_0 : i32, i32
  }
  func.func @transform_7(%arg0: i32) -> (i32, i32) {
    %c0_i32 = arith.constant 0 : i32
    %c0_i32_0 = arith.constant 0 : i32
    %c0_i32_1 = arith.constant 0 : i32
    return %c0_i32, %c0_i32_0 : i32, i32
  }
  func.func @transform_8(%arg0: i32) -> (i32, i32) {
    %c0_i32 = arith.constant 0 : i32
    %c0_i32_0 = arith.constant 0 : i32
    %c0_i32_1 = arith.constant 0 : i32
    return %c0_i32, %c0_i32_0 : i32, i32
  }
  func.func @transform_9(%arg0: i32) -> (i32, i32) {
    %c0_i32 = arith.constant 0 : i32
    %c0_i32_0 = arith.constant 0 : i32
    return %arg0, %c0_i32 : i32, i32
  }
  func.func @transform_10(%arg0: i32) -> (i32, i32) {
    %c0_i32 = arith.constant 0 : i32
    %c0_i32_0 = arith.constant 0 : i32
    return %arg0, %c0_i32 : i32, i32
  }
}

</mosaic_0001>

<sc_bundles>
// kernel: kernel.4.cloned.1.call-start
scs
__scs_entry_jumppad:
0x0: {  	(pc) =	sbr.rel $0x88, $3  }
0x1: {  	(tag) =	ssettag $0x0;
	lr =	simm.s32 $0x1  }
0x2: {  	[smem:$0x3F93] =	sst lr;
	_ =	strace $0xD0000000  }
0x3: {  	_ = 	snop  }
0x4: {  	_ = 	snop  }
0x5: {  	_ = 	snop  }
0x6: {  	_ = 	snop  }
0x7: {  	_ = 	snop  }
__scs_overlays_trampoline_lowered:
0x8: {  	[smem:$0x3FA2] =	sst s0  }
0x9: {  	[smem:$0x3FA3] =	sst s1  }
0xa: {  	[smem:$0x3FA4] =	sst s2  }
0xb: {  	[smem:$0x3FA5] =	sst s3  }
0xc: {  	[smem:$0x3FA6] =	sst s4  }
0xd: {  	[smem:$0x3FA7] =	sst s5  }
0xe: {  	[smem:$0x3FA8] =	sst s6  }
0xf: {  	[smem:$0x3FA9] =	sst s7  }
0x10: {  	[smem:$0x3FAA] =	sst s8  }
0x11: {  	[smem:$0x3FAB] =	sst s9;
	s0 =	simm.s32 @!p0 $0x0  }
0x12: {  	s1 =	sld [smem:$0x3F91];
	s0 =	simm.s32 @p0 $0x1  }
0x13: {  	[smem:$0x3FAC] =	sst s0;
	s0 =	simm.s32 @!p1 $0x0  }
0x14: {  	s2 =	sld [smem:$0x3F90];
	s0 =	simm.s32 @p1 $0x1  }
0x15: {  	[smem:$0x3FAD] =	sst s0;
	s0 =	simm.s32 @!p2 $0x0  }
0x16: {  	s3 =	sld [smem:$0x3FDB];
	s0 =	simm.s32 @p2 $0x1  }
0x17: {  	s4 =	simm.s32 $0x1BF5;
	[smem:$0x3FAF] =	sst s0  }
0x18: {  	s0 =	sld [smem:$0x3F92];
	_ =	swait.ge [sflag:s4], $0x0  }
0x19: {  	s7 =	sld [smem:$0x3F93]  }
0x1a: {  	s8 =	sadd.s32 $0xFFFFE003, lr  }
0x1b: {  	s9 =	sadd.s32 $0xFFFFFEF7, lr;
	s5 =	simm.s32 $0xFFFFFFFF;
	p2 =	slt.u32 s8, $0xFFFFF086  }
0x1c: {  	p1 =	slt.u32 s9, $0xF7A;
	s5 =	simm.s32 @!p2 $0x0  }
0x1d: {  	s5 =	simm.s32 @p1 $0x1;
	p0 =	seq.s32 s7, s2  }
0x1e: {  	s7 =	smul.u32 @!p0 $0xF7A, s2;
	p2 =	seq.s32 @!p0 s5, $0x0  }
0x1f: {  	s9 =	smul.u32 $0xF7A, s1;
	s8 =	simm.s32 @!p0 $0x1BF5;
	p2 =	por !p2, p0  }
0x20: {  	[sflag:s8] =	ssyncset.s32 @!p0 $0xFFFFF086;
	s6 =	sadd.s32 @!p0 s3, s7;
	s7 =	simm.s32 @!p0 $0x108  }
0x21: {  	s3 =	sadd.s32 s3, s9;
	s6 =	sadd.s32 @!p0 $0x88, s6;
	s7 =	simm.s32 @p2 $0x1082  }
0x22: {  	[simem:s7], [sflag:s8] =	dma.local @!p0 [hbm:s6], $0xF7A  }
0x23: {  	s9 =	sor.u32 $0xD0000000, s2;
	s6 =	simm.s32 $0x108;
	_ =	swait.ge @!p0 [sflag:s8], $0x0  }
0x24: {  	s3 =	sadd.s32 $0x88, s3;
	s6 =	simm.s32 @!p1 $0x1082;
	[sflag:s4] =	ssyncset.s32 $0xFFFFF086  }
0x25: {  	[simem:s6], [sflag:s4] =	dma.local [hbm:s3], $0xF7A  }
0x26: {  	[smem:$0x3F93] =	sst s1;
	(tag) =	ssettag s2;
	_ =	strace s9  }
0x27: {  	s1 =	sld [smem:$0x3FA3]  }
0x28: {  	s2 =	sld [smem:$0x3FA4]  }
0x29: {  	s4 =	sld [smem:$0x3FA6]  }
0x2a: {  	p0 =	seq.s32 s5, $0x0;
	s5 =	sld [smem:$0x3FA7]  }
0x2b: {  	s6 =	sld [smem:$0x3FA8]  }
0x2c: {  	s7 =	sld [smem:$0x3FA9]  }
0x2d: {  	s3 =	simm.s32 $0x108;
	s8 =	sld [smem:$0x3FAA]  }
0x2e: {  	s3 =	simm.s32 @!p0 $0x1082;
	s9 =	sld [smem:$0x3FAB]  }
0x2f: {  	lr =	sadd.s32 s0, s3;
	s0 =	sld [smem:$0x3FA2]  }
0x30: {  	s3 =	sld [smem:$0x3FA5]  }
0x31: {  	[smem:$0x3FAE] =	sst s10  }
0x32: {  	s10 =	sld [smem:$0x3FAC];
	_ =	sdelay $0x3  }
0x33: {  	p0 =	seq.s32 s10, $0x1;
	s10 =	sld [smem:$0x3FAE];
	_ =	sdelay $0x3  }
0x34: {  	[smem:$0x3FAE] =	sst s10  }
0x35: {  	s10 =	sld [smem:$0x3FAD];
	_ =	sdelay $0x3  }
0x36: {  	p1 =	seq.s32 s10, $0x1;
	s10 =	sld [smem:$0x3FAE];
	_ =	sdelay $0x3  }
0x37: {  	[smem:$0x3FAE] =	sst s10  }
0x38: {  	s10 =	sld [smem:$0x3FAF]  }
0x39: {  	_ = 	snop;
	(pc) =	sbr.ind lr, $3  }
0x3a: {  	_ = 	snop  }
0x3b: {  	_ = 	snop  }
0x3c: {  	p2 =	seq.s32 s10, $0x1;
	s10 =	sld [smem:$0x3FAE]  }
0x3d: {  	_ =	shalt  }
0x3e: {  	_ =	shalt  }
0x3f: {  	_ =	shalt  }
0x40: {  	_ =	shalt  }
0x41: {  	_ =	shalt  }
0x42: {  	_ =	shalt  }
0x43: {  	_ =	shalt  }
0x44: {  	_ =	shalt  }
0x45: {  	_ =	shalt  }
0x46: {  	_ =	shalt  }
0x47: {  	_ =	shalt  }
0x48: {  	_ =	shalt  }
0x49: {  	_ =	shalt  }
0x4a: {  	_ =	shalt  }
0x4b: {  	_ =	shalt  }
0x4c: {  	_ =	shalt  }
0x4d: {  	_ =	shalt  }
0x4e: {  	_ =	shalt  }
0x4f: {  	_ =	shalt  }
0x50: {  	_ =	shalt  }
0x51: {  	_ =	shalt  }
0x52: {  	_ =	shalt  }
0x53: {  	_ =	shalt  }
0x54: {  	_ =	shalt  }
0x55: {  	_ =	shalt  }
0x56: {  	_ =	shalt  }
0x57: {  	_ =	shalt  }
0x58: {  	_ =	shalt  }
0x59: {  	_ =	shalt  }
0x5a: {  	_ =	shalt  }
0x5b: {  	_ =	shalt  }
0x5c: {  	_ =	shalt  }
0x5d: {  	_ =	shalt  }
0x5e: {  	_ =	shalt  }
0x5f: {  	_ =	shalt  }
0x60: {  	_ =	shalt  }
0x61: {  	_ =	shalt  }
0x62: {  	_ =	shalt  }
0x63: {  	_ =	shalt  }
0x64: {  	_ =	shalt  }
0x65: {  	_ =	shalt  }
0x66: {  	_ =	shalt  }
0x67: {  	_ =	shalt  }
0x68: {  	_ =	shalt  }
0x69: {  	_ =	shalt  }
0x6a: {  	_ =	shalt  }
0x6b: {  	_ =	shalt  }
0x6c: {  	_ =	shalt  }
0x6d: {  	_ =	shalt  }
0x6e: {  	_ =	shalt  }
0x6f: {  	_ =	shalt  }
0x70: {  	_ =	shalt  }
0x71: {  	_ =	shalt  }
0x72: {  	_ =	shalt  }
0x73: {  	_ =	shalt  }
0x74: {  	_ =	shalt  }
0x75: {  	_ =	shalt  }
0x76: {  	_ =	shalt  }
0x77: {  	_ =	shalt  }
0x78: {  	_ =	shalt  }
0x79: {  	_ =	shalt  }
0x7a: {  	_ =	shalt  }
0x7b: {  	_ =	shalt  }
0x7c: {  	_ =	shalt  }
0x7d: {  	_ =	shalt  }
0x7e: {  	_ =	shalt  }
0x7f: {  	_ =	shalt  }
0x80: {  	_ =	shalt  }
0x81: {  	_ =	shalt  }
0x82: {  	_ =	shalt  }
0x83: {  	_ =	shalt  }
0x84: {  	_ =	shalt  }
0x85: {  	_ =	shalt  }
0x86: {  	_ =	shalt  }
0x87: {  	_ =	shalt  }
.Lfunc_end0:
.L_simem_size_0:
called_computation_lowered:
.L_overlay_start_0:
0x88: {  	s2 =	sld [smem:$0x3FD9]  }
0x89: {  	s3 =	sld [smem:$0x3FFE];
	_ =	sdelay $0x1  }
0x8a: {  	s1 =	srdreg.scid  }
0x8b: {  	s0 =	sand.u32 $0x1, s1  }
0x8c: {  	s14 =	sshll.u32 s0, $0xA;
	s2 =	sadd.s32 s3, s2  }
0x8d: {  	s2 =	sadd.s32 s2, s14  }
0x8e: {  	[smem:$0x3FBA] =	sst s2  }
0x8f: {  	_ = 	snop  }
0x90: {  	s2 =	sld [smem:$0x3FD0];
	_ =	sdelay $0x1  }
0x91: {  	s15 =	sld [smem:$0x3FC9]  }
0x92: {  	s5 =	simm.s32 $0xA;
	s6 =	simm.s32 $0x10;
	s4 =	sld [smem:$0x3FC8]  }
0x93: {  	[smem:s6], [sflag:s5] =	dma.local [hbm:s2], $0x1  }
0x94: {  	_ =	swait.eq [sflag:s5], $0x1  }
0x95: {  	[sflag:s5] =	ssyncset.done $0x0  }
0x96: {  	s16 =	sld [smem:$0x10];
	[sflag:s5] =	ssyncadd.s32 $0xFFFFFFFF  }
0x97: {  	s17 =	sld [smem:$0x11];
	(tm) =	ssettm $0x1  }
0x98: {  	s18 =	sld [smem:$0x3FFB];
	_ =	sdelay $0x3  }
0x99: {  	_ =	strace s18  }
0x9a: {  	s6 =	sld [smem:$0x3FFC];
	_ =	sdelay $0x3  }
0x9b: {  	_ =	strace s6  }
0x9c: {  	s6 =	sld [smem:$0x3FFD];
	_ =	sdelay $0x3  }
0x9d: {  	_ =	strace s6  }
0x9e: {  	_ =	strace $0x8FFFFFFF  }
0x9f: {  	s19 =	sld [smem:$0x3FDB];
	_ =	sdelay $0x1  }
0xa0: {  	s7 =	simm.s32 $_scs_section_size  }
0xa1: {  	s8 =	simm.s32 $_size__tile_overlayer_lowered;
	s9 =	simm.s32 $_tile_overlayer_lowered  }
0xa2: {  	s22 =	simm.s32 $0x1BFF;
	s21 =	sshll.u32 s9, $0x1;
	s6 =	sadd.s32 s7, s19  }
0xa3: {  	s10 =	simm.s32 $0x0;
	s20 =	sshll.u32 s8, $0x1;
	s8 =	sadd.s32 s21, s6  }
0xa4: {  	[timem:s10], [sflag:s22] =	dma.local [hbm:s8], s20  }
0xa5: {  	_ =	swait.ge [sflag:s22], s20  }
0xa6: {  	s7 =	ssub.s32 $0x0, s20;
	[sflag:s22] =	ssyncset.done $0x0  }
0xa7: {  	[sflag:s22] =	ssyncadd.s32 s7;
	_ =	sdelay $0x1  }
0xa8: {  	s23 =	simm.s32 $0x1B8B  }
0xa9: {  	_ =	swait.ge [sflag:s23], $0x1  }
0xaa: {  	[sflag:s23] =	ssyncset.done $0x0  }
0xab: {  	s25 =	simm.s32 $0x1B8E;
	s24 =	sld [smem:$0x3FFE];
	[sflag:s23] =	ssyncadd.s32 $0xFFFFFFFF  }
0xac: {  	s26 =	simm.s32 $execute0_lowered;
	[smem:$0x3FD2] =	sst s25  }
0xad: {  	s8 =	sshll.u32 s26, $0x1;
	_ =	strace $0x80000046;
	[dreg:$0x1] =	wrdreg $0xFFFFFFFF  }
0xae: {  	s28 =	simm.s32 $_size_execute0_lowered;
	s6 =	sadd.s32 s6, s8;
	[dreg:$0x0] =	wrdreg $0x0  }
0xaf: {  	s8 =	sshll.u32 s28, $0x1;
	[dreg:$0x2] =	wrdreg s6  }
0xb0: {  	[dreg:$0x3] =	wrdreg s8  }
0xb1: {  	[dreg:$0x4] =	wrdreg $0xC0  }
0xb2: {  	_ =	task [dreg:s10], $0x5FFFF  }
0xb3: {  	[dreg:$0x1] =	wrdreg $0xFFFFFFFF  }
0xb4: {  	[dreg:$0x0] =	wrdreg $0x60  }
0xb5: {  	[dreg:$0x2] =	wrdreg s15  }
0xb6: {  	[dreg:$0x3] =	wrdreg s4  }
0xb7: {  	[dreg:$0x4] =	wrdreg s24  }
0xb8: {  	[dreg:$0x5] =	wrdreg s17  }
0xb9: {  	[dreg:$0x6] =	wrdreg s16  }
0xba: {  	[dreg:$0x7] =	wrdreg $0xC6000  }
0xbb: {  	[dreg:$0x8] =	wrdreg $0x9  }
0xbc: {  	_ =	task.clear_ibuf [dreg:s10], $0x9FFFF;
	_ =	strace $0x90000046  }
0xbd: {  	s29 =	simm.s32 $0x9;
	_ =	strace $0x80000048  }
0xbe: {  	_ =	swait.ge [sflag:s29], $0x1  }
0xbf: {  	[sflag:s29] =	ssyncadd.s32 $0xFFFFFFFF  }
0xc0: {  	_ =	strace $0x90000048  }
0xc1: {  	_ =	sfence  }
0xc2: {  	s30 =	sld [smem:$0x0];
	_ =	sdelay $0x2  }
0xc3: {  	s31 =	sshll.u32 s1, $0xD;
	s1 =	sshrl.u32 s1, $0x2  }
0xc4: {  	s3 =	sand.u32 $0x4000, s31;
	s1 =	sadd.s32 s1, s30  }
0xc5: {  	s0 =	sor.u32 s3, s0;
	s1 =	sshll.u32 s1, $0x11  }
0xc6: {  	s0 =	sor.u32 s1, s0  }
0xc7: {  	s0 =	sadd.s32 $0x8F2B, s0  }
0xc8: {  	[sflag:s0] =	ssyncadd.remote.s32 $0x1  }
0xc9: {  	_ =	sfence.sel $0xFFFF  }
0xca: {  	[dreg:$0x0] =	wrdreg $0xFFFFFFFF;
	(pc) =	sbr.abs _section_cstart, $3  }
0xcb: {  	[dreg:$0x1] =	wrdreg $0xFFFFFFFF  }
0xcc: {  	_ =	task.clear_ibuf [dreg:s10], $0x2FFFF;
	_ =	strace $0x9FFFFFFF  }
0xcd: {  	(tm) =	ssettm $0x7FFFFFFF  }
tec
execute0_lowered:
.L_overlay_start_1:
0x0: {  	(tag) =	ssettag $0x1  }
0x1: {  	s0 =	rddreg [dreg:$0x0]  }
0x2: {  	s2 =	rddreg [dreg:$0x1]  }
0x3: {  	s1 =	rddreg [dreg:$0x2]  }
0x4: {  	s12 =	rddreg [dreg:$0x3]  }
0x5: {  	s14 =	rddreg [dreg:$0x4]  }
0x6: {  	s5 =	rddreg [dreg:$0x5];
	s6 =	simm.s32 $0x0  }
0x7: {  	s15 =	stileid.u32;
	s4 =	srdreg.scid;
	s21 =	simm.s32 $0x100  }
0x8: {  	s22 =	simm.s32 $0x80;
	s23 =	simm.s32 $0x600;
	s24 =	simm.s32 $0x200  }
0x9: {  	s28 =	simm.s32 $0x4600;
	s29 =	simm.s32 $0x7;
	s3 =	smul.u32 $0x1440, s15  }
0xa: {  	s30 =	simm.s32 $0x300;
	s31 =	simm.s32 $0x3;
	s7 =	smul.u32 $0x4F000, s15  }
0xb: {  	s16 =	simm.s32 $0x5;
	[smem:$0x7FF] =	sst s6;
	s10 =	smul.u32 $0x4E000, s15  }
0xc: {  	s4 =	sand.u32 $0x1, s4;
	s18 =	smul.u32 $0x2700, s15;
	s11 =	sadd.s32 $0x128400, s5  }
0xd: {  	s20 =	sadd.s32 $0x138000, s5;
	p0 =	seq.s32 s15, $0xF;
	p3 =	seq.s32 s15, $0x0  }
0xe: {  	p2 =	sne.s32 s15, $0x0;
	_ =	strace $0x80000047;
	s17 =	ssub.s32 $0x2, s4  }
0xf: {  	p1 =	sne.s32 s4, $0x0;
	s26 =	sshrl.u32 s20, $0x3;
	s20 =	simm.s32 $0x280  }
0x10: {  	s3 =	sadd.s32 s3, s1;
	s1 =	sadd.s32 $0x2AE00, s1;
	s8 =	sshrl.u32 s17, $0x1  }
0x11: {  	s7 =	sshrl.u32 s7, $0x2;
	s10 =	sshrl.u32 s10, $0x2;
	s19 =	sadd.s32 s12, s18  }
0x12: {  	s25 =	sadd.s32 s14, s18;
	[dreg:$0x12] =	wrdreg s26;
	s26 =	simm.s32 $0x2  }
0x13: {  	s12 =	simm.s32 $0x4;
	s14 =	simm.s32 $0x9;
	[dreg:$0x7] =	wrdreg s1  }
0x14: {  	s18 =	simm.s32 $0xC;
	s1 =	ssub.s32 s17, s8;
	[dreg:$0xa] =	wrdreg s19  }
0x15: {  	s7 =	sadd.s32 s7, s5;
	s13 =	sadd.s32 $0x16A20, s3;
	[dreg:$0xc] =	wrdreg s25  }
0x16: {  	s9 =	sadd.s32 $0x16A00, s3;
	s10 =	sadd.s32 s10, s5;
	[dreg:$0x8] =	wrdreg s13  }
0x17: {  	s25 =	simm.s32 $0xA;
	s19 =	simm.s32 $0x6;
	[dreg:$0x9] =	wrdreg s10  }
0x18: {  	s13 =	sadd.s32 $0x2600, s3;
	s3 =	sadd.s32 $0x2620, s3;
	[dreg:$0x11] =	wrdreg s9  }
0x19: {  	s17 =	simm.s32 $0x0;
	s1 =	smax.u32 s1, $0x1;
	[dreg:$0xb] =	wrdreg s3  }
.Ltmp0:
0x1a: {  	s10 =	simm.s32 $0x400;
	[dreg:$0xd] =	wrdreg s1;
	(pc) =	sbr.rel .LBB2_1-.Ltmp0, $4  }
0x1b: {  	s3 =	sshll.u32 @!p0 s15, $0x6;
	s1 =	sshrl.u32 @p0 s11, $0x3;
	[dreg:$0x14] =	wrdreg s13  }
0x1c: {  	s11 =	simm.s32 $0x500;
	[dreg:$0xe] =	wrdreg s1;
	s1 =	sor.u32 @!p0 $0x1C0D, s3  }
0x1d: {  	s3 =	simm.s32 $0x8;
	[dreg:$0xf] =	wrdreg s1;
	s1 =	sshrl.u32 @!p0 s7, $0x3  }
0x1e: {  	s7 =	simm.s32 $0xB;
	[dreg:$0x10] =	wrdreg s1;
	s1 =	simm.s32 $0x8600  }
.LBB2_8:
0x1f: {  	s8 =	sadd.s32 $0x27000, s15;
	s20 =	rddreg [dreg:$0x12]  }
0x20: {  	[hbm:s8], [sflag:s4] =	dma.local [spmem:s20], $0x100  }
0x21: {  	s20 =	simm.s32 $0xD  }
0x22: {  	_ =	swait.ge [sflag:s20], $0x100  }
0x23: {  	[sflag:s20] =	ssyncset.done $0x0  }
0x24: {  	[sflag:s20] =	ssyncadd.s32 $0xFFFFFF00  }
.LBB2_9:
0x25: {  	s17 =	sadd.s32 $0x1, s17;
	s4 =	rddreg [dreg:$0xd]  }
0x26: {  	p4 =	sne.s32 s17, s4  }
.Ltmp1:
0x27: {  	_ = 	snop;
	(pc) =	sbr.rel @!p4 .LBB2_10-.Ltmp1, $2  }
0x28: {  	_ =	sdelay $0x2  }
0x29: {  	s20 =	simm.s32 $0x280  }
.LBB2_1:
0x2a: {  	[dreg:$0x13] =	wrdreg s17  }
0x2b: {  	s8 =	rddreg [dreg:$0x7]  }
0x2c: {  	s4 =	simm.s32 @p0 $0x1FCD;
	s15 =	rddreg [dreg:$0xe]  }
0x2d: {  	[spmem:s15], [sflag:s4] =	dma.local @p0 [hbm:s8], $0x2100  }
0x2e: {  	s4 =	simm.s32 @p0 $0xD  }
0x2f: {  	_ =	swait.ge @p0 [sflag:s4], $0x2100  }
0x30: {  	[sflag:s4] =	ssyncset.done @p0 $0x0;
	s15 =	rddreg [dreg:$0x10]  }
0x31: {  	[sflag:s4] =	ssyncadd.s32 @p0 $0xFFFFDF00;
	s4 =	rddreg [dreg:$0xf]  }
0x32: {  	[spmem:s15], [sflag:s4] =	dma.local @!p0 [hbm:s8], $0x2780  }
0x33: {  	s4 =	simm.s32 @!p0 $0xD  }
.Ltmp2:
0x34: {  	_ =	swait.ge @!p0 [sflag:s4], $0x2780;
	(pc) =	sbr.rel @p1 .LBB2_5-.Ltmp2, $4  }
0x35: {  	[sflag:s4] =	ssyncset.done @!p0 $0x0  }
0x36: {  	[sflag:s4] =	ssyncadd.s32 @!p0 $0xFFFFD880  }
0x37: {  	[bflag:$0x0] =	sbarrier.arrive $0xFFFF  }
0x38: {  	s4 =	simm.s32 $0x0  }
0x39: {  	[tilespmem:s4], [sflag:$0x1] =	stream.linear.gather [hbm4b:s13+s4], $0x100, $0x38;
	[tilespmem:$0x1FEC0] =	vst v63  }
0x3a: {  	s8 =	rddreg [dreg:$0xb];
	s15 =	simm.s32 $0x1  }
0x3b: {  	[tilespmem:s21], [sflag:$0x2] =	stream.linear.gather [hbm4b:s8+s4], $0x100, $0x38;
	[tilespmem:$0x1FEC0] =	vst v63  }
0x3c: {  	_ =	swait.ge [sflag:s15], $0x100  }
0x3d: {  	[sflag:s15] =	ssyncset.done $0x0  }
0x3e: {  	p4 =	por $0x1, $0x1;
	[sflag:s15] =	ssyncadd.s32 $0xFFFFFF00  }
0x3f: {  	[tilespmem:s23], [sflag:$0x7] =	stream.indirect.gather [hbm4b:s0+s22], $0x80, s4, s22, $0xb8;
	[tilespmem:$0x1FEC0] =	vst v63  }
0x40: {  	s4 =	simm.s32 @!p4 $0xB  }
0x41: {  	_ =	swait.ge @!p4 [sflag:s4], $0x4000  }
0x42: {  	s15 =	sadd.s32 $0x0, s13;
	[sflag:s4] =	ssyncset.done @!p4 $0x0  }
0x43: {  	s17 =	sadd.s32 $0x40, s15;
	[sflag:s4] =	ssyncadd.s32 @!p4 $0xFFFFC000  }
0x44: {  	[tilespmem:s24], [sflag:$0x3] =	stream.linear.gather [hbm4b:s17+s6], $0x100, $0x38;
	[tilespmem:$0x1FEC0] =	vst v63  }
0x45: {  	_ =	swait.ge [sflag:s26], $0x100  }
0x46: {  	[sflag:s26] =	ssyncset.done $0x0  }
0x47: {  	[sflag:s26] =	ssyncadd.s32 $0xFFFFFF00  }
0x48: {  	[tilespmem:s28], [sflag:$0x8] =	stream.indirect.gather [hbm4b:s0+s22], $0x80, s21, s22, $0xb8;
	[tilespmem:$0x1FEC0] =	vst v63  }
0x49: {  	_ =	swait.ge [sflag:s29], $0x4000  }
0x4a: {  	[sflag:s29] =	ssyncset.done $0x0  }
0x4b: {  	s4 =	simm.s32 @!p4 $0xC;
	[sflag:s29] =	ssyncadd.s32 $0xFFFFC000  }
0x4c: {  	[spmem:s5] =	stream.indirect.scatter.add.f32 [tilespmem:s23], [sflag:$0xA], $0x80, s22, s22, $0xb8;
	[tilespmem:$0x1FEC0] =	vst v63  }
0x4d: {  	_ =	swait.ge @!p4 [sflag:s4], $0x4000  }
0x4e: {  	[sflag:s4] =	ssyncset.done @!p4 $0x0  }
0x4f: {  	s21 =	sadd.s32 $0x60, s15;
	[sflag:s4] =	ssyncadd.s32 @!p4 $0xFFFFC000  }
0x50: {  	[tilespmem:s30], [sflag:$0x4] =	stream.linear.gather [hbm4b:s21+s6], $0x100, $0x38;
	[tilespmem:$0x1FEC0] =	vst v63  }
0x51: {  	_ =	swait.ge [sflag:s31], $0x100  }
0x52: {  	[sflag:s31] =	ssyncset.done $0x0  }
0x53: {  	[sflag:s31] =	ssyncadd.s32 $0xFFFFFF00  }
0x54: {  	[tilespmem:s1], [sflag:$0x9] =	stream.indirect.gather [hbm4b:s0+s22], $0x80, s24, s22, $0xb8;
	[tilespmem:$0x1FEC0] =	vst v63  }
0x55: {  	_ =	swait.ge [sflag:s3], $0x4000  }
0x56: {  	[sflag:s3] =	ssyncset.done $0x0  }
0x57: {  	s8 =	simm.s32 $0x180;
	[sflag:s3] =	ssyncadd.s32 $0xFFFFC000  }
0x58: {  	[spmem:s5] =	stream.indirect.scatter.add.f32 [tilespmem:s28], [sflag:$0xB], $0x80, s8, s22, $0xb8;
	[tilespmem:$0x1FEC0] =	vst v63  }
0x59: {  	_ =	swait.ge [sflag:s25], $0x4000  }
0x5a: {  	[sflag:s25] =	ssyncset.done $0x0  }
0x5b: {  	s9 =	sadd.s32 $0x80, s15;
	[sflag:s25] =	ssyncadd.s32 $0xFFFFC000  }
0x5c: {  	[tilespmem:s10], [sflag:$0x5] =	stream.linear.gather [hbm4b:s9+s6], $0x100, $0x38;
	[tilespmem:$0x1FEC0] =	vst v63  }
0x5d: {  	_ =	swait.ge [sflag:s12], $0x100  }
0x5e: {  	[sflag:s12] =	ssyncset.done $0x0  }
0x5f: {  	[sflag:s12] =	ssyncadd.s32 $0xFFFFFF00  }
0x60: {  	[tilespmem:s23], [sflag:$0x7] =	stream.indirect.gather [hbm4b:s0+s22], $0x80, s30, s22, $0xb8;
	[tilespmem:$0x1FEC0] =	vst v63  }
0x61: {  	_ =	swait.ge [sflag:s14], $0x4000  }
0x62: {  	[sflag:s14] =	ssyncset.done $0x0  }
0x63: {  	[sflag:s14] =	ssyncadd.s32 $0xFFFFC000  }
0x64: {  	[spmem:s5] =	stream.indirect.scatter.add.f32 [tilespmem:s1], [sflag:$0xC], $0x80, s20, s22, $0xb8;
	[tilespmem:$0x1FEC0] =	vst v63  }
0x65: {  	_ =	swait.ge [sflag:s7], $0x4000  }
0x66: {  	[sflag:s7] =	ssyncset.done $0x0  }
0x67: {  	s17 =	sadd.s32 $0xA0, s15;
	[sflag:s7] =	ssyncadd.s32 $0xFFFFC000  }
0x68: {  	[tilespmem:s11], [sflag:$0x6] =	stream.linear.gather [hbm4b:s17+s6], $0x100, $0x38;
	[tilespmem:$0x1FEC0] =	vst v63  }
0x69: {  	_ =	swait.ge [sflag:s16], $0x100  }
0x6a: {  	[sflag:s16] =	ssyncset.done $0x0  }
0x6b: {  	[sflag:s16] =	ssyncadd.s32 $0xFFFFFF00  }
0x6c: {  	[tilespmem:s28], [sflag:$0x8] =	stream.indirect.gather [hbm4b:s0+s22], $0x80, s10, s22, $0xb8;
	[tilespmem:$0x1FEC0] =	vst v63  }
0x6d: {  	_ =	swait.ge [sflag:s29], $0x4000  }
0x6e: {  	[sflag:s29] =	ssyncset.done $0x0  }
0x6f: {  	s20 =	simm.s32 $0x380;
	[sflag:s29] =	ssyncadd.s32 $0xFFFFC000  }
0x70: {  	[spmem:s5] =	stream.indirect.scatter.add.f32 [tilespmem:s23], [sflag:$0xA], $0x80, s20, s22, $0xb8;
	[tilespmem:$0x1FEC0] =	vst v63  }
0x71: {  	p4 =	por $0x0, $0x0;
	_ =	swait.ge [sflag:s18], $0x4000  }
0x72: {  	s4 =	sadd.s32 @!p4 $0x0, s13;
	[sflag:s18] =	ssyncset.done $0x0  }
0x73: {  	s15 =	sadd.s32 @!p4 $0xC0, s4;
	s17 =	simm.s32 @!p4 $0x0;
	[sflag:s18] =	ssyncadd.s32 $0xFFFFC000  }
0x74: {  	[tilespmem:s17], [sflag:$0x1] =	stream.linear.gather @!p4 [hbm4b:s15+s17], $0x100, $0x38;
	[tilespmem:$0x1FEC0] =	vst v63  }
0x75: {  	_ =	swait.ge [sflag:s19], $0x100  }
0x76: {  	[sflag:s19] =	ssyncset.done $0x0  }
0x77: {  	[sflag:s19] =	ssyncadd.s32 $0xFFFFFF00  }
0x78: {  	[tilespmem:s1], [sflag:$0x9] =	stream.indirect.gather [hbm4b:s0+s22], $0x80, s11, s22, $0xb8;
	[tilespmem:$0x1FEC0] =	vst v63  }
0x79: {  	_ =	swait.ge [sflag:s3], $0x4000  }
0x7a: {  	[sflag:s3] =	ssyncset.done $0x0  }
0x7b: {  	s21 =	simm.s32 $0x480;
	[sflag:s3] =	ssyncadd.s32 $0xFFFFC000  }
0x7c: {  	[spmem:s5] =	stream.indirect.scatter.add.f32 [tilespmem:s28], [sflag:$0xB], $0x80, s21, s22, $0xb8;
	[tilespmem:$0x1FEC0] =	vst v63  }
0x7d: {  	_ =	swait.ge [sflag:s25], $0x4000  }
0x7e: {  	[sflag:s25] =	ssyncset.done $0x0  }
0x7f: {  	s4 =	sadd.s32 @!p4 $0xE0, s4;
	s15 =	simm.s32 @!p4 $0x100;
	[sflag:s25] =	ssyncadd.s32 $0xFFFFC000  }
0x80: {  	[tilespmem:s15], [sflag:$0x2] =	stream.linear.gather @!p4 [hbm4b:s4+s17], $0x100, $0x38;
	[tilespmem:$0x1FEC0] =	vst v63  }
0x81: {  	s4 =	simm.s32 @!p4 $0x1  }
0x82: {  	_ =	swait.ge @!p4 [sflag:s4], $0x100  }
0x83: {  	[sflag:s4] =	ssyncset.done @!p4 $0x0  }
0x84: {  	s15 =	simm.s32 @!p4 $0x600;
	[sflag:s4] =	ssyncadd.s32 @!p4 $0xFFFFFF00;
	s4 =	simm.s32 @!p4 $0x80  }
0x85: {  	[tilespmem:s15], [sflag:$0x7] =	stream.indirect.gather @!p4 [hbm4b:s0+s4], $0x80, s17, s4, $0xb8;
	[tilespmem:$0x1FEC0] =	vst v63  }
0x86: {  	p5 =	por $0x0, $0x0;
	s9 =	simm.s32 $0x580;
	_ =	swait.ge [sflag:s14], $0x4000  }
0x87: {  	s20 =	simm.s32 $0xC0;
	s4 =	simm.s32 $0x180;
	[sflag:s14] =	ssyncset.done $0x0  }
.LBB2_3:
0x88: {  	s21 =	simm.s32 @!p5 $0xB  }
0x89: {  	[sflag:s14] =	ssyncadd.s32 $0xFFFFC000;
	s15 =	smov.u32 s4;
	s4 =	sadd.s32 $0xC0, s4  }
0x8a: {  	[spmem:s5] =	stream.indirect.scatter.add.f32 [tilespmem:s1], [sflag:$0xC], $0x80, s9, s22, $0xb8;
	[tilespmem:$0x1FEC0] =	vst v63  }
0x8b: {  	p4 =	sne.s32 s4, $0x1440;
	_ =	swait.ge @!p5 [sflag:s21], $0x4000  }
0x8c: {  	s17 =	sadd.s32 s20, s13;
	[sflag:s21] =	ssyncset.done @!p5 $0x0  }
0x8d: {  	[sflag:s21] =	ssyncadd.s32 @!p5 $0xFFFFC000;
	s21 =	sadd.s32 $0x40, s17  }
0x8e: {  	[tilespmem:s24], [sflag:$0x3] =	stream.linear.gather [hbm4b:s21+s6], $0x100, $0x38;
	[tilespmem:$0x1FEC0] =	vst v63  }
0x8f: {  	_ =	swait.ge [sflag:s26], $0x100  }
0x90: {  	[sflag:s26] =	ssyncset.done $0x0  }
0x91: {  	s8 =	simm.s32 $0x100;
	[sflag:s26] =	ssyncadd.s32 $0xFFFFFF00  }
0x92: {  	[tilespmem:s28], [sflag:$0x8] =	stream.indirect.gather [hbm4b:s0+s22], $0x80, s8, s22, $0xb8;
	[tilespmem:$0x1FEC0] =	vst v63  }
0x93: {  	_ =	swait.ge [sflag:s29], $0x4000  }
0x94: {  	[sflag:s29] =	ssyncset.done $0x0  }
0x95: {  	s21 =	simm.s32 @!p5 $0xC;
	[sflag:s29] =	ssyncadd.s32 $0xFFFFC000  }
0x96: {  	[spmem:s5] =	stream.indirect.scatter.add.f32 [tilespmem:s23], [sflag:$0xA], $0x80, s22, s22, $0xb8;
	[tilespmem:$0x1FEC0] =	vst v63  }
0x97: {  	_ =	swait.ge @!p5 [sflag:s21], $0x4000  }
0x98: {  	[sflag:s21] =	ssyncset.done @!p5 $0x0  }
0x99: {  	[sflag:s21] =	ssyncadd.s32 @!p5 $0xFFFFC000;
	s21 =	sadd.s32 $0x60, s17  }
0x9a: {  	[tilespmem:s30], [sflag:$0x4] =	stream.linear.gather [hbm4b:s21+s6], $0x100, $0x38;
	[tilespmem:$0x1FEC0] =	vst v63  }
0x9b: {  	_ =	swait.ge [sflag:s31], $0x100  }
0x9c: {  	[sflag:s31] =	ssyncset.done $0x0  }
0x9d: {  	[sflag:s31] =	ssyncadd.s32 $0xFFFFFF00  }
0x9e: {  	[tilespmem:s1], [sflag:$0x9] =	stream.indirect.gather [hbm4b:s0+s22], $0x80, s24, s22, $0xb8;
	[tilespmem:$0x1FEC0] =	vst v63  }
0x9f: {  	_ =	swait.ge [sflag:s3], $0x4000  }
0xa0: {  	[sflag:s3] =	ssyncset.done $0x0  }
0xa1: {  	s8 =	simm.s32 $0x180;
	[sflag:s3] =	ssyncadd.s32 $0xFFFFC000  }
0xa2: {  	[spmem:s5] =	stream.indirect.scatter.add.f32 [tilespmem:s28], [sflag:$0xB], $0x80, s8, s22, $0xb8;
	[tilespmem:$0x1FEC0] =	vst v63  }
0xa3: {  	_ =	swait.ge [sflag:s25], $0x4000  }
0xa4: {  	[sflag:s25] =	ssyncset.done $0x0  }
0xa5: {  	s21 =	sadd.s32 $0x80, s17;
	[sflag:s25] =	ssyncadd.s32 $0xFFFFC000  }
0xa6: {  	[tilespmem:s10], [sflag:$0x5] =	stream.linear.gather [hbm4b:s21+s6], $0x100, $0x38;
	[tilespmem:$0x1FEC0] =	vst v63  }
0xa7: {  	_ =	swait.ge [sflag:s12], $0x100  }
0xa8: {  	[sflag:s12] =	ssyncset.done $0x0  }
0xa9: {  	[sflag:s12] =	ssyncadd.s32 $0xFFFFFF00  }
0xaa: {  	[tilespmem:s23], [sflag:$0x7] =	stream.indirect.gather [hbm4b:s0+s22], $0x80, s30, s22, $0xb8;
	[tilespmem:$0x1FEC0] =	vst v63  }
0xab: {  	_ =	swait.ge [sflag:s14], $0x4000  }
0xac: {  	[sflag:s14] =	ssyncset.done $0x0  }
0xad: {  	s8 =	simm.s32 $0x280;
	[sflag:s14] =	ssyncadd.s32 $0xFFFFC000  }
0xae: {  	[spmem:s5] =	stream.indirect.scatter.add.f32 [tilespmem:s1], [sflag:$0xC], $0x80, s8, s22, $0xb8;
	[tilespmem:$0x1FEC0] =	vst v63  }
0xaf: {  	_ =	swait.ge [sflag:s7], $0x4000  }
0xb0: {  	[sflag:s7] =	ssyncset.done $0x0  }
0xb1: {  	s17 =	sadd.s32 $0xA0, s17;
	[sflag:s7] =	ssyncadd.s32 $0xFFFFC000  }
0xb2: {  	[tilespmem:s11], [sflag:$0x6] =	stream.linear.gather [hbm4b:s17+s6], $0x100, $0x38;
	[tilespmem:$0x1FEC0] =	vst v63  }
0xb3: {  	_ =	swait.ge [sflag:s16], $0x100  }
0xb4: {  	[sflag:s16] =	ssyncset.done $0x0  }
0xb5: {  	[sflag:s16] =	ssyncadd.s32 $0xFFFFFF00  }
0xb6: {  	[tilespmem:s28], [sflag:$0x8] =	stream.indirect.gather [hbm4b:s0+s22], $0x80, s10, s22, $0xb8;
	[tilespmem:$0x1FEC0] =	vst v63  }
0xb7: {  	_ =	swait.ge [sflag:s29], $0x4000  }
0xb8: {  	[sflag:s29] =	ssyncset.done $0x0  }
0xb9: {  	s8 =	simm.s32 $0x380;
	[sflag:s29] =	ssyncadd.s32 $0xFFFFC000  }
0xba: {  	[spmem:s5] =	stream.indirect.scatter.add.f32 [tilespmem:s23], [sflag:$0xA], $0x80, s8, s22, $0xb8;
	[tilespmem:$0x1FEC0] =	vst v63  }
0xbb: {  	p5 =	seq.s32 s20, $0x1380;
	_ =	swait.ge [sflag:s18], $0x4000  }
0xbc: {  	s17 =	sadd.s32 @!p5 s20, s13;
	s20 =	smov.u32 s15;
	[sflag:s18] =	ssyncset.done $0x0  }
0xbd: {  	s21 =	simm.s32 @!p5 $0x0;
	s15 =	sadd.s32 @!p5 $0xC0, s17;
	[sflag:s18] =	ssyncadd.s32 $0xFFFFC000  }
0xbe: {  	[tilespmem:s21], [sflag:$0x1] =	stream.linear.gather @!p5 [hbm4b:s15+s21], $0x100, $0x38;
	[tilespmem:$0x1FEC0] =	vst v63  }
0xbf: {  	s15 =	sadd.s32 @!p5 $0xE0, s17;
	_ =	swait.ge [sflag:s19], $0x100  }
0xc0: {  	[sflag:s19] =	ssyncset.done $0x0  }
0xc1: {  	[sflag:s19] =	ssyncadd.s32 $0xFFFFFF00  }
0xc2: {  	[tilespmem:s1], [sflag:$0x9] =	stream.indirect.gather [hbm4b:s0+s22], $0x80, s11, s22, $0xb8;
	[tilespmem:$0x1FEC0] =	vst v63  }
0xc3: {  	_ =	swait.ge [sflag:s3], $0x4000  }
0xc4: {  	[sflag:s3] =	ssyncset.done $0x0  }
0xc5: {  	s8 =	simm.s32 $0x480;
	[sflag:s3] =	ssyncadd.s32 $0xFFFFC000  }
0xc6: {  	[spmem:s5] =	stream.indirect.scatter.add.f32 [tilespmem:s28], [sflag:$0xB], $0x80, s8, s22, $0xb8;
	[tilespmem:$0x1FEC0] =	vst v63  }
0xc7: {  	_ =	swait.ge [sflag:s25], $0x4000  }
0xc8: {  	[sflag:s25] =	ssyncset.done $0x0  }
0xc9: {  	s17 =	simm.s32 @!p5 $0x100;
	s8 =	simm.s32 @!p5 $0x1;
	[sflag:s25] =	ssyncadd.s32 $0xFFFFC000  }
0xca: {  	[tilespmem:s17], [sflag:$0x2] =	stream.linear.gather @!p5 [hbm4b:s15+s21], $0x100, $0x38;
	[tilespmem:$0x1FEC0] =	vst v63  }
0xcb: {  	_ =	swait.ge @!p5 [sflag:s8], $0x100  }
.Ltmp3:
0xcc: {  	[sflag:s8] =	ssyncset.done @!p5 $0x0;
	(pc) =	sbr.rel @p4 .LBB2_3-.Ltmp3, $4  }
0xcd: {  	s15 =	simm.s32 @!p5 $0x600;
	[sflag:s8] =	ssyncadd.s32 @!p5 $0xFFFFFF00;
	s8 =	simm.s32 @!p5 $0x80  }
0xce: {  	[tilespmem:s15], [sflag:$0x7] =	stream.indirect.gather @!p5 [hbm4b:s0+s8], $0x80, s21, s8, $0xb8;
	[tilespmem:$0x1FEC0] =	vst v63  }
0xcf: {  	_ =	swait.ge [sflag:s14], $0x4000  }
0xd0: {  	p5 =	seq.s32 s20, $0x0;
	[sflag:s14] =	ssyncset.done $0x0  }
0xd1: {  	s4 =	simm.s32 @!p5 $0xB;
	[sflag:s14] =	ssyncadd.s32 $0xFFFFC000;
	s9 =	simm.s32 $0x580  }
0xd2: {  	[spmem:s5] =	stream.indirect.scatter.add.f32 [tilespmem:s1], [sflag:$0xC], $0x80, s9, s22, $0xb8;
	[tilespmem:$0x1FEC0] =	vst v63  }
0xd3: {  	_ =	swait.ge @!p5 [sflag:s4], $0x4000  }
0xd4: {  	s8 =	sadd.s32 s20, s13;
	[sflag:s4] =	ssyncset.done @!p5 $0x0  }
0xd5: {  	s15 =	sadd.s32 $0x40, s8;
	[sflag:s4] =	ssyncadd.s32 @!p5 $0xFFFFC000  }
0xd6: {  	[tilespmem:s24], [sflag:$0x3] =	stream.linear.gather [hbm4b:s15+s6], $0x100, $0x38;
	[tilespmem:$0x1FEC0] =	vst v63  }
0xd7: {  	_ =	swait.ge [sflag:s26], $0x100  }
0xd8: {  	[sflag:s26] =	ssyncset.done $0x0  }
0xd9: {  	s17 =	simm.s32 $0x100;
	[sflag:s26] =	ssyncadd.s32 $0xFFFFFF00  }
0xda: {  	[tilespmem:s28], [sflag:$0x8] =	stream.indirect.gather [hbm4b:s0+s22], $0x80, s17, s22, $0xb8;
	[tilespmem:$0x1FEC0] =	vst v63  }
0xdb: {  	_ =	swait.ge [sflag:s29], $0x4000  }
0xdc: {  	[sflag:s29] =	ssyncset.done $0x0  }
0xdd: {  	s4 =	simm.s32 @!p5 $0xC;
	[sflag:s29] =	ssyncadd.s32 $0xFFFFC000  }
0xde: {  	[spmem:s5] =	stream.indirect.scatter.add.f32 [tilespmem:s23], [sflag:$0xA], $0x80, s22, s22, $0xb8;
	[tilespmem:$0x1FEC0] =	vst v63  }
0xdf: {  	_ =	swait.ge @!p5 [sflag:s4], $0x4000  }
0xe0: {  	[sflag:s4] =	ssyncset.done @!p5 $0x0  }
0xe1: {  	s21 =	sadd.s32 $0x60, s8;
	[sflag:s4] =	ssyncadd.s32 @!p5 $0xFFFFC000  }
0xe2: {  	[tilespmem:s30], [sflag:$0x4] =	stream.linear.gather [hbm4b:s21+s6], $0x100, $0x38;
	[tilespmem:$0x1FEC0] =	vst v63  }
0xe3: {  	_ =	swait.ge [sflag:s31], $0x100  }
0xe4: {  	[sflag:s31] =	ssyncset.done $0x0  }
0xe5: {  	[sflag:s31] =	ssyncadd.s32 $0xFFFFFF00  }
0xe6: {  	[tilespmem:s1], [sflag:$0x9] =	stream.indirect.gather [hbm4b:s0+s22], $0x80, s24, s22, $0xb8;
	[tilespmem:$0x1FEC0] =	vst v63  }
0xe7: {  	_ =	swait.ge [sflag:s3], $0x4000  }
0xe8: {  	[sflag:s3] =	ssyncset.done $0x0  }
0xe9: {  	s15 =	simm.s32 $0x180;
	[sflag:s3] =	ssyncadd.s32 $0xFFFFC000  }
0xea: {  	[spmem:s5] =	stream.indirect.scatter.add.f32 [tilespmem:s28], [sflag:$0xB], $0x80, s15, s22, $0xb8;
	[tilespmem:$0x1FEC0] =	vst v63  }
0xeb: {  	_ =	swait.ge [sflag:s25], $0x4000  }
0xec: {  	[sflag:s25] =	ssyncset.done $0x0  }
0xed: {  	s17 =	sadd.s32 $0x80, s8;
	[sflag:s25] =	ssyncadd.s32 $0xFFFFC000  }
0xee: {  	[tilespmem:s10], [sflag:$0x5] =	stream.linear.gather [hbm4b:s17+s6], $0x100, $0x38;
	[tilespmem:$0x1FEC0] =	vst v63  }
0xef: {  	_ =	swait.ge [sflag:s12], $0x100  }
0xf0: {  	[sflag:s12] =	ssyncset.done $0x0  }
0xf1: {  	[sflag:s12] =	ssyncadd.s32 $0xFFFFFF00  }
0xf2: {  	[tilespmem:s23], [sflag:$0x7] =	stream.indirect.gather [hbm4b:s0+s22], $0x80, s30, s22, $0xb8;
	[tilespmem:$0x1FEC0] =	vst v63  }
0xf3: {  	_ =	swait.ge [sflag:s14], $0x4000  }
0xf4: {  	[sflag:s14] =	ssyncset.done $0x0  }
0xf5: {  	s21 =	simm.s32 $0x280;
	[sflag:s14] =	ssyncadd.s32 $0xFFFFC000  }
0xf6: {  	[spmem:s5] =	stream.indirect.scatter.add.f32 [tilespmem:s1], [sflag:$0xC], $0x80, s21, s22, $0xb8;
	[tilespmem:$0x1FEC0] =	vst v63  }
0xf7: {  	_ =	swait.ge [sflag:s7], $0x4000  }
0xf8: {  	[sflag:s7] =	ssyncset.done $0x0  }
0xf9: {  	s15 =	sadd.s32 $0xA0, s8;
	[sflag:s7] =	ssyncadd.s32 $0xFFFFC000  }
0xfa: {  	[tilespmem:s11], [sflag:$0x6] =	stream.linear.gather [hbm4b:s15+s6], $0x100, $0x38;
	[tilespmem:$0x1FEC0] =	vst v63  }
0xfb: {  	_ =	swait.ge [sflag:s16], $0x100  }
0xfc: {  	[sflag:s16] =	ssyncset.done $0x0  }
0xfd: {  	[sflag:s16] =	ssyncadd.s32 $0xFFFFFF00  }
0xfe: {  	[tilespmem:s28], [sflag:$0x8] =	stream.indirect.gather [hbm4b:s0+s22], $0x80, s10, s22, $0xb8;
	[tilespmem:$0x1FEC0] =	vst v63  }
0xff: {  	_ =	swait.ge [sflag:s29], $0x4000  }
0x100: {  	[sflag:s29] =	ssyncset.done $0x0  }
0x101: {  	s17 =	simm.s32 $0x380;
	[sflag:s29] =	ssyncadd.s32 $0xFFFFC000  }
0x102: {  	[spmem:s5] =	stream.indirect.scatter.add.f32 [tilespmem:s23], [sflag:$0xA], $0x80, s17, s22, $0xb8;
	[tilespmem:$0x1FEC0] =	vst v63  }
0x103: {  	p4 =	seq.s32 s20, $0x1380;
	_ =	swait.ge [sflag:s18], $0x4000  }
0x104: {  	s4 =	sadd.s32 @!p4 s20, s13;
	[sflag:s18] =	ssyncset.done $0x0  }
0x105: {  	s8 =	sadd.s32 @!p4 $0xC0, s4;
	s15 =	simm.s32 @!p4 $0x0;
	[sflag:s18] =	ssyncadd.s32 $0xFFFFC000  }
0x106: {  	[tilespmem:s15], [sflag:$0x1] =	stream.linear.gather @!p4 [hbm4b:s8+s15], $0x100, $0x38;
	[tilespmem:$0x1FEC0] =	vst v63  }
0x107: {  	_ =	swait.ge [sflag:s19], $0x100  }
0x108: {  	[sflag:s19] =	ssyncset.done $0x0  }
0x109: {  	[sflag:s19] =	ssyncadd.s32 $0xFFFFFF00  }
0x10a: {  	[tilespmem:s1], [sflag:$0x9] =	stream.indirect.gather [hbm4b:s0+s22], $0x80, s11, s22, $0xb8;
	[tilespmem:$0x1FEC0] =	vst v63  }
0x10b: {  	_ =	swait.ge [sflag:s3], $0x4000  }
0x10c: {  	[sflag:s3] =	ssyncset.done $0x0  }
0x10d: {  	s21 =	simm.s32 $0x480;
	[sflag:s3] =	ssyncadd.s32 $0xFFFFC000  }
0x10e: {  	[spmem:s5] =	stream.indirect.scatter.add.f32 [tilespmem:s28], [sflag:$0xB], $0x80, s21, s22, $0xb8;
	[tilespmem:$0x1FEC0] =	vst v63  }
0x10f: {  	_ =	swait.ge [sflag:s25], $0x4000  }
0x110: {  	[sflag:s25] =	ssyncset.done $0x0  }
0x111: {  	s4 =	sadd.s32 @!p4 $0xE0, s4;
	s8 =	simm.s32 @!p4 $0x100;
	[sflag:s25] =	ssyncadd.s32 $0xFFFFC000  }
0x112: {  	[tilespmem:s8], [sflag:$0x2] =	stream.linear.gather @!p4 [hbm4b:s4+s15], $0x100, $0x38;
	[tilespmem:$0x1FEC0] =	vst v63  }
0x113: {  	s4 =	simm.s32 @!p4 $0x1  }
0x114: {  	_ =	swait.ge @!p4 [sflag:s4], $0x100  }
0x115: {  	[sflag:s4] =	ssyncset.done @!p4 $0x0  }
0x116: {  	s8 =	simm.s32 @!p4 $0x600;
	[sflag:s4] =	ssyncadd.s32 @!p4 $0xFFFFFF00;
	s4 =	simm.s32 @!p4 $0x80  }
0x117: {  	[tilespmem:s8], [sflag:$0x7] =	stream.indirect.gather @!p4 [hbm4b:s0+s4], $0x80, s15, s4, $0xb8;
	[tilespmem:$0x1FEC0] =	vst v63  }
0x118: {  	_ =	swait.ge [sflag:s14], $0x4000  }
0x119: {  	[sflag:s14] =	ssyncset.done $0x0  }
0x11a: {  	[sflag:s14] =	ssyncadd.s32 $0xFFFFC000  }
0x11b: {  	[spmem:s5] =	stream.indirect.scatter.add.f32 [tilespmem:s1], [sflag:$0xC], $0x80, s9, s22, $0xb8;
	[tilespmem:$0x1FEC0] =	vst v63  }
0x11c: {  	_ =	swait.ge [sflag:s7], $0x4000  }
0x11d: {  	[sflag:s7] =	ssyncset.done $0x0  }
0x11e: {  	[sflag:s7] =	ssyncadd.s32 $0xFFFFC000  }
0x11f: {  	_ =	swait.ge [sflag:s18], $0x4000  }
0x120: {  	[sflag:s18] =	ssyncset.done $0x0  }
0x121: {  	[sflag:s18] =	ssyncadd.s32 $0xFFFFC000  }
0x122: {  	s15 =	stileid.u32;
	[bflag:$0x0] =	sbarrier.arrive $0xFFFF  }
0x123: {  	s4 =	sshll.u32 s15, $0x6;
	s17 =	rddreg [dreg:$0x9]  }
0x124: {  	s4 =	sor.u32 $0x1C0D, s4;
	s20 =	rddreg [dreg:$0xc];
	s8 =	sshrl.u32 s17, $0x3  }
0x125: {  	[hbm:s20], [sflag:s4] =	dma.local [spmem:s8], $0x2700  }
.Ltmp4:
0x126: {  	s21 =	simm.s32 $0xD;
	(pc) =	sbr.rel @!p3 .LBB2_9-.Ltmp4, $4  }
.Ltmp5:
0x127: {  	_ =	swait.ge [sflag:s21], $0x2700;
	(pc) =	sbr.rel @p3 .LBB2_8-.Ltmp5, $4  }
0x128: {  	[sflag:s21] =	ssyncset.done $0x0;
	s9 =	rddreg [dreg:$0x11]  }
0x129: {  	s17 =	rddreg [dreg:$0x13];
	[sflag:s21] =	ssyncadd.s32 $0xFFFFD900  }
0x12a: {  	s21 =	simm.s32 $0x100;
	s15 =	rddreg [dreg:$0x4]  }
0x12b: {  	_ = 	snop  }
.LBB2_5:
0x12c: {  	[tilespmem:s4], [sflag:$0x1] =	stream.linear.gather [hbm4b:s9+s4], $0x100, $0x38;
	[tilespmem:$0x1FEC0] =	vst v63  }
0x12d: {  	s8 =	rddreg [dreg:$0x8];
	s13 =	simm.s32 $0x1  }
0x12e: {  	[tilespmem:s21], [sflag:$0x2] =	stream.linear.gather [hbm4b:s8+s4], $0x100, $0x38;
	[tilespmem:$0x1FEC0] =	vst v63  }
0x12f: {  	_ =	swait.ge [sflag:s13], $0x100  }
0x130: {  	[sflag:s13] =	ssyncset.done $0x0  }
0x131: {  	p4 =	por $0x1, $0x1;
	[sflag:s13] =	ssyncadd.s32 $0xFFFFFF00  }
0x132: {  	[tilespmem:s23], [sflag:$0x7] =	stream.indirect.gather [hbm4b:s2+s22], $0x80, s4, s22, $0xb8;
	[tilespmem:$0x1FEC0] =	vst v63  }
0x133: {  	s4 =	simm.s32 @!p4 $0xB  }
0x134: {  	_ =	swait.ge @!p4 [sflag:s4], $0x4000  }
0x135: {  	s8 =	sadd.s32 $0x0, s9;
	[sflag:s4] =	ssyncset.done @!p4 $0x0  }
0x136: {  	s15 =	sadd.s32 $0x40, s8;
	[sflag:s4] =	ssyncadd.s32 @!p4 $0xFFFFC000  }
0x137: {  	[tilespmem:s24], [sflag:$0x3] =	stream.linear.gather [hbm4b:s15+s6], $0x100, $0x38;
	[tilespmem:$0x1FEC0] =	vst v63  }
0x138: {  	_ =	swait.ge [sflag:s26], $0x100  }
0x139: {  	[sflag:s26] =	ssyncset.done $0x0  }
0x13a: {  	[sflag:s26] =	ssyncadd.s32 $0xFFFFFF00  }
0x13b: {  	[tilespmem:s28], [sflag:$0x8] =	stream.indirect.gather [hbm4b:s2+s22], $0x80, s21, s22, $0xb8;
	[tilespmem:$0x1FEC0] =	vst v63  }
0x13c: {  	_ =	swait.ge [sflag:s29], $0x4000  }
0x13d: {  	[sflag:s29] =	ssyncset.done $0x0  }
0x13e: {  	s4 =	simm.s32 @!p4 $0xC;
	[sflag:s29] =	ssyncadd.s32 $0xFFFFC000  }
0x13f: {  	[spmem:s5] =	stream.indirect.scatter.add.f32 [tilespmem:s23], [sflag:$0xA], $0x80, s22, s22, $0xb8;
	[tilespmem:$0x1FEC0] =	vst v63  }
0x140: {  	_ =	swait.ge @!p4 [sflag:s4], $0x4000  }
0x141: {  	[sflag:s4] =	ssyncset.done @!p4 $0x0  }
0x142: {  	s17 =	sadd.s32 $0x60, s8;
	[sflag:s4] =	ssyncadd.s32 @!p4 $0xFFFFC000  }
0x143: {  	[tilespmem:s30], [sflag:$0x4] =	stream.linear.gather [hbm4b:s17+s6], $0x100, $0x38;
	[tilespmem:$0x1FEC0] =	vst v63  }
0x144: {  	_ =	swait.ge [sflag:s31], $0x100  }
0x145: {  	[sflag:s31] =	ssyncset.done $0x0  }
0x146: {  	[sflag:s31] =	ssyncadd.s32 $0xFFFFFF00  }
0x147: {  	[tilespmem:s1], [sflag:$0x9] =	stream.indirect.gather [hbm4b:s2+s22], $0x80, s24, s22, $0xb8;
	[tilespmem:$0x1FEC0] =	vst v63  }
0x148: {  	_ =	swait.ge [sflag:s3], $0x4000  }
0x149: {  	[sflag:s3] =	ssyncset.done $0x0  }
0x14a: {  	s13 =	simm.s32 $0x180;
	[sflag:s3] =	ssyncadd.s32 $0xFFFFC000  }
0x14b: {  	[spmem:s5] =	stream.indirect.scatter.add.f32 [tilespmem:s28], [sflag:$0xB], $0x80, s13, s22, $0xb8;
	[tilespmem:$0x1FEC0] =	vst v63  }
0x14c: {  	_ =	swait.ge [sflag:s25], $0x4000  }
0x14d: {  	[sflag:s25] =	ssyncset.done $0x0  }
0x14e: {  	s15 =	sadd.s32 $0x80, s8;
	[sflag:s25] =	ssyncadd.s32 $0xFFFFC000  }
0x14f: {  	[tilespmem:s10], [sflag:$0x5] =	stream.linear.gather [hbm4b:s15+s6], $0x100, $0x38;
	[tilespmem:$0x1FEC0] =	vst v63  }
0x150: {  	_ =	swait.ge [sflag:s12], $0x100  }
0x151: {  	[sflag:s12] =	ssyncset.done $0x0  }
0x152: {  	[sflag:s12] =	ssyncadd.s32 $0xFFFFFF00  }
0x153: {  	[tilespmem:s23], [sflag:$0x7] =	stream.indirect.gather [hbm4b:s2+s22], $0x80, s30, s22, $0xb8;
	[tilespmem:$0x1FEC0] =	vst v63  }
0x154: {  	_ =	swait.ge [sflag:s14], $0x4000  }
0x155: {  	[sflag:s14] =	ssyncset.done $0x0  }
0x156: {  	[sflag:s14] =	ssyncadd.s32 $0xFFFFC000  }
0x157: {  	[spmem:s5] =	stream.indirect.scatter.add.f32 [tilespmem:s1], [sflag:$0xC], $0x80, s20, s22, $0xb8;
	[tilespmem:$0x1FEC0] =	vst v63  }
0x158: {  	_ =	swait.ge [sflag:s7], $0x4000  }
0x159: {  	[sflag:s7] =	ssyncset.done $0x0  }
0x15a: {  	s17 =	sadd.s32 $0xA0, s8;
	[sflag:s7] =	ssyncadd.s32 $0xFFFFC000  }
0x15b: {  	[tilespmem:s11], [sflag:$0x6] =	stream.linear.gather [hbm4b:s17+s6], $0x100, $0x38;
	[tilespmem:$0x1FEC0] =	vst v63  }
0x15c: {  	_ =	swait.ge [sflag:s16], $0x100  }
0x15d: {  	[sflag:s16] =	ssyncset.done $0x0  }
0x15e: {  	[sflag:s16] =	ssyncadd.s32 $0xFFFFFF00  }
0x15f: {  	[tilespmem:s28], [sflag:$0x8] =	stream.indirect.gather [hbm4b:s2+s22], $0x80, s10, s22, $0xb8;
	[tilespmem:$0x1FEC0] =	vst v63  }
0x160: {  	_ =	swait.ge [sflag:s29], $0x4000  }
0x161: {  	[sflag:s29] =	ssyncset.done $0x0  }
0x162: {  	s20 =	simm.s32 $0x380;
	[sflag:s29] =	ssyncadd.s32 $0xFFFFC000  }
0x163: {  	[spmem:s5] =	stream.indirect.scatter.add.f32 [tilespmem:s23], [sflag:$0xA], $0x80, s20, s22, $0xb8;
	[tilespmem:$0x1FEC0] =	vst v63  }
0x164: {  	p4 =	por $0x0, $0x0;
	_ =	swait.ge [sflag:s18], $0x4000  }
0x165: {  	s4 =	sadd.s32 @!p4 $0x0, s9;
	[sflag:s18] =	ssyncset.done $0x0  }
0x166: {  	s8 =	sadd.s32 @!p4 $0xC0, s4;
	s15 =	simm.s32 @!p4 $0x0;
	[sflag:s18] =	ssyncadd.s32 $0xFFFFC000  }
0x167: {  	[tilespmem:s15], [sflag:$0x1] =	stream.linear.gather @!p4 [hbm4b:s8+s15], $0x100, $0x38;
	[tilespmem:$0x1FEC0] =	vst v63  }
0x168: {  	_ =	swait.ge [sflag:s19], $0x100  }
0x169: {  	[sflag:s19] =	ssyncset.done $0x0  }
0x16a: {  	[sflag:s19] =	ssyncadd.s32 $0xFFFFFF00  }
0x16b: {  	[tilespmem:s1], [sflag:$0x9] =	stream.indirect.gather [hbm4b:s2+s22], $0x80, s11, s22, $0xb8;
	[tilespmem:$0x1FEC0] =	vst v63  }
0x16c: {  	_ =	swait.ge [sflag:s3], $0x4000  }
0x16d: {  	[sflag:s3] =	ssyncset.done $0x0  }
0x16e: {  	s24 =	simm.s32 $0x480;
	[sflag:s3] =	ssyncadd.s32 $0xFFFFC000  }
0x16f: {  	[spmem:s5] =	stream.indirect.scatter.add.f32 [tilespmem:s28], [sflag:$0xB], $0x80, s24, s22, $0xb8;
	[tilespmem:$0x1FEC0] =	vst v63  }
0x170: {  	_ =	swait.ge [sflag:s25], $0x4000  }
0x171: {  	[sflag:s25] =	ssyncset.done $0x0  }
0x172: {  	s4 =	sadd.s32 @!p4 $0xE0, s4;
	s8 =	simm.s32 @!p4 $0x100;
	[sflag:s25] =	ssyncadd.s32 $0xFFFFC000  }
0x173: {  	[tilespmem:s8], [sflag:$0x2] =	stream.linear.gather @!p4 [hbm4b:s4+s15], $0x100, $0x38;
	[tilespmem:$0x1FEC0] =	vst v63  }
0x174: {  	s4 =	simm.s32 @!p4 $0x1  }
0x175: {  	p5 =	por $0x0, $0x0;
	s13 =	simm.s32 $0x580;
	_ =	swait.ge @!p4 [sflag:s4], $0x100  }
0x176: {  	s30 =	simm.s32 $0x200;
	s10 =	simm.s32 $0x300;
	[sflag:s4] =	ssyncset.done @!p4 $0x0  }
0x177: {  	s8 =	simm.s32 @!p4 $0x600;
	[sflag:s4] =	ssyncadd.s32 @!p4 $0xFFFFFF00;
	s4 =	simm.s32 @!p4 $0x80  }
0x178: {  	[tilespmem:s8], [sflag:$0x7] =	stream.indirect.gather @!p4 [hbm4b:s2+s4], $0x80, s15, s4, $0xb8;
	[tilespmem:$0x1FEC0] =	vst v63  }
0x179: {  	s20 =	simm.s32 $0xC0;
	s11 =	simm.s32 $0x400;
	_ =	swait.ge [sflag:s14], $0x4000  }
0x17a: {  	s24 =	simm.s32 $0x500;
	s4 =	simm.s32 $0x180;
	[sflag:s14] =	ssyncset.done $0x0  }
.LBB2_6:
0x17b: {  	s8 =	simm.s32 @!p5 $0xB  }
0x17c: {  	[sflag:s14] =	ssyncadd.s32 $0xFFFFC000;
	s15 =	smov.u32 s4;
	s4 =	sadd.s32 $0xC0, s4  }
0x17d: {  	[spmem:s5] =	stream.indirect.scatter.add.f32 [tilespmem:s1], [sflag:$0xC], $0x80, s13, s22, $0xb8;
	[tilespmem:$0x1FEC0] =	vst v63  }
0x17e: {  	p4 =	sne.s32 s4, $0x1440;
	_ =	swait.ge @!p5 [sflag:s8], $0x4000  }
0x17f: {  	s17 =	sadd.s32 s20, s9;
	[sflag:s8] =	ssyncset.done @!p5 $0x0  }
0x180: {  	[sflag:s8] =	ssyncadd.s32 @!p5 $0xFFFFC000;
	s8 =	sadd.s32 $0x40, s17  }
0x181: {  	[tilespmem:s30], [sflag:$0x3] =	stream.linear.gather [hbm4b:s8+s6], $0x100, $0x38;
	[tilespmem:$0x1FEC0] =	vst v63  }
0x182: {  	_ =	swait.ge [sflag:s26], $0x100  }
0x183: {  	[sflag:s26] =	ssyncset.done $0x0  }
0x184: {  	[sflag:s26] =	ssyncadd.s32 $0xFFFFFF00  }
0x185: {  	[tilespmem:s28], [sflag:$0x8] =	stream.indirect.gather [hbm4b:s2+s22], $0x80, s21, s22, $0xb8;
	[tilespmem:$0x1FEC0] =	vst v63  }
0x186: {  	_ =	swait.ge [sflag:s29], $0x4000  }
0x187: {  	[sflag:s29] =	ssyncset.done $0x0  }
0x188: {  	s8 =	simm.s32 @!p5 $0xC;
	[sflag:s29] =	ssyncadd.s32 $0xFFFFC000  }
0x189: {  	[spmem:s5] =	stream.indirect.scatter.add.f32 [tilespmem:s23], [sflag:$0xA], $0x80, s22, s22, $0xb8;
	[tilespmem:$0x1FEC0] =	vst v63  }
0x18a: {  	_ =	swait.ge @!p5 [sflag:s8], $0x4000  }
0x18b: {  	[sflag:s8] =	ssyncset.done @!p5 $0x0  }
0x18c: {  	[sflag:s8] =	ssyncadd.s32 @!p5 $0xFFFFC000;
	s8 =	sadd.s32 $0x60, s17  }
0x18d: {  	[tilespmem:s10], [sflag:$0x4] =	stream.linear.gather [hbm4b:s8+s6], $0x100, $0x38;
	[tilespmem:$0x1FEC0] =	vst v63  }
0x18e: {  	_ =	swait.ge [sflag:s31], $0x100  }
0x18f: {  	[sflag:s31] =	ssyncset.done $0x0  }
0x190: {  	[sflag:s31] =	ssyncadd.s32 $0xFFFFFF00  }
0x191: {  	[tilespmem:s1], [sflag:$0x9] =	stream.indirect.gather [hbm4b:s2+s22], $0x80, s30, s22, $0xb8;
	[tilespmem:$0x1FEC0] =	vst v63  }
0x192: {  	_ =	swait.ge [sflag:s3], $0x4000  }
0x193: {  	[sflag:s3] =	ssyncset.done $0x0  }
0x194: {  	s8 =	simm.s32 $0x180;
	[sflag:s3] =	ssyncadd.s32 $0xFFFFC000  }
0x195: {  	[spmem:s5] =	stream.indirect.scatter.add.f32 [tilespmem:s28], [sflag:$0xB], $0x80, s8, s22, $0xb8;
	[tilespmem:$0x1FEC0] =	vst v63  }
0x196: {  	_ =	swait.ge [sflag:s25], $0x4000  }
0x197: {  	[sflag:s25] =	ssyncset.done $0x0  }
0x198: {  	s8 =	sadd.s32 $0x80, s17;
	[sflag:s25] =	ssyncadd.s32 $0xFFFFC000  }
0x199: {  	[tilespmem:s11], [sflag:$0x5] =	stream.linear.gather [hbm4b:s8+s6], $0x100, $0x38;
	[tilespmem:$0x1FEC0] =	vst v63  }
0x19a: {  	_ =	swait.ge [sflag:s12], $0x100  }
0x19b: {  	[sflag:s12] =	ssyncset.done $0x0  }
0x19c: {  	[sflag:s12] =	ssyncadd.s32 $0xFFFFFF00  }
0x19d: {  	[tilespmem:s23], [sflag:$0x7] =	stream.indirect.gather [hbm4b:s2+s22], $0x80, s10, s22, $0xb8;
	[tilespmem:$0x1FEC0] =	vst v63  }
0x19e: {  	_ =	swait.ge [sflag:s14], $0x4000  }
0x19f: {  	[sflag:s14] =	ssyncset.done $0x0  }
0x1a0: {  	s8 =	simm.s32 $0x280;
	[sflag:s14] =	ssyncadd.s32 $0xFFFFC000  }
0x1a1: {  	[spmem:s5] =	stream.indirect.scatter.add.f32 [tilespmem:s1], [sflag:$0xC], $0x80, s8, s22, $0xb8;
	[tilespmem:$0x1FEC0] =	vst v63  }
0x1a2: {  	_ =	swait.ge [sflag:s7], $0x4000  }
0x1a3: {  	[sflag:s7] =	ssyncset.done $0x0  }
0x1a4: {  	s8 =	sadd.s32 $0xA0, s17;
	[sflag:s7] =	ssyncadd.s32 $0xFFFFC000  }
0x1a5: {  	[tilespmem:s24], [sflag:$0x6] =	stream.linear.gather [hbm4b:s8+s6], $0x100, $0x38;
	[tilespmem:$0x1FEC0] =	vst v63  }
0x1a6: {  	_ =	swait.ge [sflag:s16], $0x100  }
0x1a7: {  	[sflag:s16] =	ssyncset.done $0x0  }
0x1a8: {  	[sflag:s16] =	ssyncadd.s32 $0xFFFFFF00  }
0x1a9: {  	[tilespmem:s28], [sflag:$0x8] =	stream.indirect.gather [hbm4b:s2+s22], $0x80, s11, s22, $0xb8;
	[tilespmem:$0x1FEC0] =	vst v63  }
0x1aa: {  	_ =	swait.ge [sflag:s29], $0x4000  }
0x1ab: {  	[sflag:s29] =	ssyncset.done $0x0  }
0x1ac: {  	s8 =	simm.s32 $0x380;
	[sflag:s29] =	ssyncadd.s32 $0xFFFFC000  }
0x1ad: {  	[spmem:s5] =	stream.indirect.scatter.add.f32 [tilespmem:s23], [sflag:$0xA], $0x80, s8, s22, $0xb8;
	[tilespmem:$0x1FEC0] =	vst v63  }
0x1ae: {  	p5 =	seq.s32 s20, $0x1380;
	_ =	swait.ge [sflag:s18], $0x4000  }
0x1af: {  	s8 =	sadd.s32 @!p5 s20, s9;
	s20 =	smov.u32 s15;
	[sflag:s18] =	ssyncset.done $0x0  }
0x1b0: {  	s17 =	simm.s32 @!p5 $0x0;
	s15 =	sadd.s32 @!p5 $0xC0, s8;
	[sflag:s18] =	ssyncadd.s32 $0xFFFFC000  }
0x1b1: {  	[tilespmem:s17], [sflag:$0x1] =	stream.linear.gather @!p5 [hbm4b:s15+s17], $0x100, $0x38;
	[tilespmem:$0x1FEC0] =	vst v63  }
0x1b2: {  	s8 =	sadd.s32 @!p5 $0xE0, s8;
	_ =	swait.ge [sflag:s19], $0x100  }
0x1b3: {  	[sflag:s19] =	ssyncset.done $0x0  }
0x1b4: {  	[sflag:s19] =	ssyncadd.s32 $0xFFFFFF00  }
0x1b5: {  	[tilespmem:s1], [sflag:$0x9] =	stream.indirect.gather [hbm4b:s2+s22], $0x80, s24, s22, $0xb8;
	[tilespmem:$0x1FEC0] =	vst v63  }
0x1b6: {  	_ =	swait.ge [sflag:s3], $0x4000  }
0x1b7: {  	[sflag:s3] =	ssyncset.done $0x0  }
0x1b8: {  	s15 =	simm.s32 $0x480;
	[sflag:s3] =	ssyncadd.s32 $0xFFFFC000  }
0x1b9: {  	[spmem:s5] =	stream.indirect.scatter.add.f32 [tilespmem:s28], [sflag:$0xB], $0x80, s15, s22, $0xb8;
	[tilespmem:$0x1FEC0] =	vst v63  }
0x1ba: {  	_ =	swait.ge [sflag:s25], $0x4000  }
0x1bb: {  	[sflag:s25] =	ssyncset.done $0x0  }
0x1bc: {  	s21 =	simm.s32 @!p5 $0x1;
	s15 =	simm.s32 @!p5 $0x100;
	[sflag:s25] =	ssyncadd.s32 $0xFFFFC000  }
0x1bd: {  	[tilespmem:s15], [sflag:$0x2] =	stream.linear.gather @!p5 [hbm4b:s8+s17], $0x100, $0x38;
	[tilespmem:$0x1FEC0] =	vst v63  }
0x1be: {  	_ =	swait.ge @!p5 [sflag:s21], $0x100  }
.Ltmp6:
0x1bf: {  	s8 =	simm.s32 @!p5 $0x80;
	[sflag:s21] =	ssyncset.done @!p5 $0x0;
	(pc) =	sbr.rel @p4 .LBB2_6-.Ltmp6, $4  }
0x1c0: {  	s15 =	simm.s32 @!p5 $0x600;
	[sflag:s21] =	ssyncadd.s32 @!p5 $0xFFFFFF00;
	s21 =	simm.s32 $0x100  }
0x1c1: {  	[tilespmem:s15], [sflag:$0x7] =	stream.indirect.gather @!p5 [hbm4b:s2+s8], $0x80, s17, s8, $0xb8;
	[tilespmem:$0x1FEC0] =	vst v63  }
0x1c2: {  	_ =	swait.ge [sflag:s14], $0x4000  }
0x1c3: {  	p5 =	seq.s32 s20, $0x0;
	[sflag:s14] =	ssyncset.done $0x0  }
0x1c4: {  	s4 =	simm.s32 @!p5 $0xB;
	[sflag:s14] =	ssyncadd.s32 $0xFFFFC000;
	s17 =	simm.s32 $0x580  }
0x1c5: {  	[spmem:s5] =	stream.indirect.scatter.add.f32 [tilespmem:s1], [sflag:$0xC], $0x80, s17, s22, $0xb8;
	[tilespmem:$0x1FEC0] =	vst v63  }
0x1c6: {  	_ =	swait.ge @!p5 [sflag:s4], $0x4000  }
0x1c7: {  	s8 =	sadd.s32 s20, s9;
	[sflag:s4] =	ssyncset.done @!p5 $0x0  }
0x1c8: {  	s15 =	sadd.s32 $0x40, s8;
	[sflag:s4] =	ssyncadd.s32 @!p5 $0xFFFFC000  }
0x1c9: {  	[tilespmem:s30], [sflag:$0x3] =	stream.linear.gather [hbm4b:s15+s6], $0x100, $0x38;
	[tilespmem:$0x1FEC0] =	vst v63  }
0x1ca: {  	_ =	swait.ge [sflag:s26], $0x100  }
0x1cb: {  	[sflag:s26] =	ssyncset.done $0x0  }
0x1cc: {  	[sflag:s26] =	ssyncadd.s32 $0xFFFFFF00  }
0x1cd: {  	[tilespmem:s28], [sflag:$0x8] =	stream.indirect.gather [hbm4b:s2+s22], $0x80, s21, s22, $0xb8;
	[tilespmem:$0x1FEC0] =	vst v63  }
0x1ce: {  	_ =	swait.ge [sflag:s29], $0x4000  }
0x1cf: {  	[sflag:s29] =	ssyncset.done $0x0  }
0x1d0: {  	s4 =	simm.s32 @!p5 $0xC;
	[sflag:s29] =	ssyncadd.s32 $0xFFFFC000  }
0x1d1: {  	[spmem:s5] =	stream.indirect.scatter.add.f32 [tilespmem:s23], [sflag:$0xA], $0x80, s22, s22, $0xb8;
	[tilespmem:$0x1FEC0] =	vst v63  }
0x1d2: {  	_ =	swait.ge @!p5 [sflag:s4], $0x4000  }
0x1d3: {  	[sflag:s4] =	ssyncset.done @!p5 $0x0  }
0x1d4: {  	s13 =	sadd.s32 $0x60, s8;
	[sflag:s4] =	ssyncadd.s32 @!p5 $0xFFFFC000  }
0x1d5: {  	[tilespmem:s10], [sflag:$0x4] =	stream.linear.gather [hbm4b:s13+s6], $0x100, $0x38;
	[tilespmem:$0x1FEC0] =	vst v63  }
0x1d6: {  	_ =	swait.ge [sflag:s31], $0x100  }
0x1d7: {  	[sflag:s31] =	ssyncset.done $0x0  }
0x1d8: {  	[sflag:s31] =	ssyncadd.s32 $0xFFFFFF00  }
0x1d9: {  	[tilespmem:s1], [sflag:$0x9] =	stream.indirect.gather [hbm4b:s2+s22], $0x80, s30, s22, $0xb8;
	[tilespmem:$0x1FEC0] =	vst v63  }
0x1da: {  	_ =	swait.ge [sflag:s3], $0x4000  }
0x1db: {  	[sflag:s3] =	ssyncset.done $0x0  }
0x1dc: {  	s15 =	simm.s32 $0x180;
	[sflag:s3] =	ssyncadd.s32 $0xFFFFC000  }
0x1dd: {  	[spmem:s5] =	stream.indirect.scatter.add.f32 [tilespmem:s28], [sflag:$0xB], $0x80, s15, s22, $0xb8;
	[tilespmem:$0x1FEC0] =	vst v63  }
0x1de: {  	_ =	swait.ge [sflag:s25], $0x4000  }
0x1df: {  	[sflag:s25] =	ssyncset.done $0x0  }
0x1e0: {  	s13 =	sadd.s32 $0x80, s8;
	[sflag:s25] =	ssyncadd.s32 $0xFFFFC000  }
0x1e1: {  	[tilespmem:s11], [sflag:$0x5] =	stream.linear.gather [hbm4b:s13+s6], $0x100, $0x38;
	[tilespmem:$0x1FEC0] =	vst v63  }
0x1e2: {  	_ =	swait.ge [sflag:s12], $0x100  }
0x1e3: {  	[sflag:s12] =	ssyncset.done $0x0  }
0x1e4: {  	[sflag:s12] =	ssyncadd.s32 $0xFFFFFF00  }
0x1e5: {  	[tilespmem:s23], [sflag:$0x7] =	stream.indirect.gather [hbm4b:s2+s22], $0x80, s10, s22, $0xb8;
	[tilespmem:$0x1FEC0] =	vst v63  }
0x1e6: {  	_ =	swait.ge [sflag:s14], $0x4000  }
0x1e7: {  	[sflag:s14] =	ssyncset.done $0x0  }
0x1e8: {  	s15 =	simm.s32 $0x280;
	[sflag:s14] =	ssyncadd.s32 $0xFFFFC000  }
0x1e9: {  	[spmem:s5] =	stream.indirect.scatter.add.f32 [tilespmem:s1], [sflag:$0xC], $0x80, s15, s22, $0xb8;
	[tilespmem:$0x1FEC0] =	vst v63  }
0x1ea: {  	_ =	swait.ge [sflag:s7], $0x4000  }
0x1eb: {  	[sflag:s7] =	ssyncset.done $0x0  }
0x1ec: {  	s10 =	sadd.s32 $0xA0, s8;
	[sflag:s7] =	ssyncadd.s32 $0xFFFFC000  }
0x1ed: {  	[tilespmem:s24], [sflag:$0x6] =	stream.linear.gather [hbm4b:s10+s6], $0x100, $0x38;
	[tilespmem:$0x1FEC0] =	vst v63  }
0x1ee: {  	_ =	swait.ge [sflag:s16], $0x100  }
0x1ef: {  	[sflag:s16] =	ssyncset.done $0x0  }
0x1f0: {  	[sflag:s16] =	ssyncadd.s32 $0xFFFFFF00  }
0x1f1: {  	[tilespmem:s28], [sflag:$0x8] =	stream.indirect.gather [hbm4b:s2+s22], $0x80, s11, s22, $0xb8;
	[tilespmem:$0x1FEC0] =	vst v63  }
0x1f2: {  	_ =	swait.ge [sflag:s29], $0x4000  }
0x1f3: {  	[sflag:s29] =	ssyncset.done $0x0  }
0x1f4: {  	s11 =	simm.s32 $0x380;
	[sflag:s29] =	ssyncadd.s32 $0xFFFFC000  }
0x1f5: {  	[spmem:s5] =	stream.indirect.scatter.add.f32 [tilespmem:s23], [sflag:$0xA], $0x80, s11, s22, $0xb8;
	[tilespmem:$0x1FEC0] =	vst v63  }
0x1f6: {  	p4 =	seq.s32 s20, $0x1380;
	_ =	swait.ge [sflag:s18], $0x4000  }
0x1f7: {  	s4 =	sadd.s32 @!p4 s20, s9;
	[sflag:s18] =	ssyncset.done $0x0  }
0x1f8: {  	s8 =	sadd.s32 @!p4 $0xC0, s4;
	s15 =	simm.s32 @!p4 $0x0;
	[sflag:s18] =	ssyncadd.s32 $0xFFFFC000  }
0x1f9: {  	[tilespmem:s15], [sflag:$0x1] =	stream.linear.gather @!p4 [hbm4b:s8+s15], $0x100, $0x38;
	[tilespmem:$0x1FEC0] =	vst v63  }
0x1fa: {  	_ =	swait.ge [sflag:s19], $0x100  }
0x1fb: {  	[sflag:s19] =	ssyncset.done $0x0  }
0x1fc: {  	[sflag:s19] =	ssyncadd.s32 $0xFFFFFF00  }
0x1fd: {  	[tilespmem:s1], [sflag:$0x9] =	stream.indirect.gather [hbm4b:s2+s22], $0x80, s24, s22, $0xb8;
	[tilespmem:$0x1FEC0] =	vst v63  }
0x1fe: {  	_ =	swait.ge [sflag:s3], $0x4000  }
0x1ff: {  	[sflag:s3] =	ssyncset.done $0x0  }
0x200: {  	s13 =	simm.s32 $0x480;
	[sflag:s3] =	ssyncadd.s32 $0xFFFFC000  }
0x201: {  	[spmem:s5] =	stream.indirect.scatter.add.f32 [tilespmem:s28], [sflag:$0xB], $0x80, s13, s22, $0xb8;
	[tilespmem:$0x1FEC0] =	vst v63  }
0x202: {  	_ =	swait.ge [sflag:s25], $0x4000  }
0x203: {  	[sflag:s25] =	ssyncset.done $0x0  }
0x204: {  	s4 =	sadd.s32 @!p4 $0xE0, s4;
	s8 =	simm.s32 @!p4 $0x100;
	[sflag:s25] =	ssyncadd.s32 $0xFFFFC000  }
0x205: {  	[tilespmem:s8], [sflag:$0x2] =	stream.linear.gather @!p4 [hbm4b:s4+s15], $0x100, $0x38;
	[tilespmem:$0x1FEC0] =	vst v63  }
0x206: {  	s4 =	simm.s32 @!p4 $0x1  }
0x207: {  	_ =	swait.ge @!p4 [sflag:s4], $0x100  }
0x208: {  	[sflag:s4] =	ssyncset.done @!p4 $0x0  }
0x209: {  	s8 =	simm.s32 @!p4 $0x600;
	[sflag:s4] =	ssyncadd.s32 @!p4 $0xFFFFFF00;
	s4 =	simm.s32 @!p4 $0x80  }
0x20a: {  	[tilespmem:s8], [sflag:$0x7] =	stream.indirect.gather @!p4 [hbm4b:s2+s4], $0x80, s15, s4, $0xb8;
	[tilespmem:$0x1FEC0] =	vst v63  }
0x20b: {  	_ =	swait.ge [sflag:s14], $0x4000  }
0x20c: {  	[sflag:s14] =	ssyncset.done $0x0  }
0x20d: {  	[sflag:s14] =	ssyncadd.s32 $0xFFFFC000  }
0x20e: {  	[spmem:s5] =	stream.indirect.scatter.add.f32 [tilespmem:s1], [sflag:$0xC], $0x80, s17, s22, $0xb8;
	[tilespmem:$0x1FEC0] =	vst v63  }
0x20f: {  	_ =	swait.ge [sflag:s7], $0x4000  }
0x210: {  	[sflag:s7] =	ssyncset.done $0x0  }
0x211: {  	[sflag:s7] =	ssyncadd.s32 $0xFFFFC000  }
0x212: {  	_ =	swait.ge [sflag:s18], $0x4000  }
0x213: {  	[sflag:s18] =	ssyncset.done $0x0  }
0x214: {  	[sflag:s18] =	ssyncadd.s32 $0xFFFFC000  }
0x215: {  	s15 =	stileid.u32;
	[bflag:$0x0] =	sbarrier.arrive $0xFFFF  }
0x216: {  	s4 =	sshll.u32 s15, $0x6;
	s17 =	rddreg [dreg:$0x9]  }
0x217: {  	s4 =	sor.u32 $0x1C0D, s4;
	s20 =	rddreg [dreg:$0xa];
	s8 =	sshrl.u32 s17, $0x3  }
0x218: {  	[hbm:s20], [sflag:s4] =	dma.local [spmem:s8], $0x2700  }
.Ltmp7:
0x219: {  	s24 =	simm.s32 $0xD;
	(pc) =	sbr.rel @p2 .LBB2_9-.Ltmp7, $4  }
.Ltmp8:
0x21a: {  	_ =	swait.ge [sflag:s24], $0x2700;
	(pc) =	sbr.rel @!p2 .LBB2_8-.Ltmp8, $4  }
0x21b: {  	s30 =	simm.s32 $0x300;
	[sflag:s24] =	ssyncset.done $0x0;
	s17 =	rddreg [dreg:$0x13]  }
0x21c: {  	s10 =	simm.s32 $0x400;
	s13 =	rddreg [dreg:$0x14];
	[sflag:s24] =	ssyncadd.s32 $0xFFFFD900  }
0x21d: {  	s11 =	simm.s32 $0x500;
	s24 =	simm.s32 $0x200;
	s15 =	rddreg [dreg:$0x3]  }
0x21e: {  	_ = 	snop  }
.LBB2_10:
0x21f: {  	_ =	sfence.sel $0x180000  }
0x220: {  	[bflag:$0x0] =	sbarrier.arrive $0xFFFF  }
0x221: {  	_ =	strace $0x90000047  }
0x222: {  	[bflag:$0x2] =	sbarrier.arrive $0xFFFF  }
0x223: {  	s0 =	rddreg [dreg:$0x6]  }
0x224: {  	s0 =	sadd.s32 @!p2 $0x100000, s0  }
0x225: {  	[sflag:s0] =	ssyncadd.tile.s32 @!p2 $0x1;
	_ =	shalt  }
.Lfunc_end2:
_tile_overlayer_lowered:
.L_overlay_start_2:
0x226: {  	(tag) =	ssettag $0x2  }
0x227: {  	s0 =	rddreg [dreg:$0x0];
	s2 =	stileid.u32  }
0x228: {  	s1 =	rddreg [dreg:$0x1];
	p0 =	sne.s32 s2, $0x0  }
0x229: {  	s3 =	rddreg [dreg:$0x2];
	[bflag:$0x3] =	sbarrier.arrive $0xFFFF;
	s2 =	simm.s32 @!p0 $0x1C0D  }
0x22a: {  	[timem:s3], [sflag:s2] =	dma.local @!p0 [hbm:s0], s1  }
0x22b: {  	s0 =	simm.s32 @!p0 $0xD  }
0x22c: {  	_ =	swait.ge @!p0 [sflag:s0], s1  }
0x22d: {  	s1 =	ssub.s32 @!p0 $0x0, s1;
	[sflag:s0] =	ssyncset.done @!p0 $0x0  }
0x22e: {  	[sflag:s0] =	ssyncadd.s32 @!p0 s1  }
0x22f: {  	[bflag:$0x3] =	sbarrier.arrive $0xFFFF  }
0x230: {  	_ =	shalt  }

</sc_bundles>
